<compile_context>
chip_gen: v7x
topology: tpu7x:2x2x1
jax: 0.10.2.dev20260603
libtpu: 0.0.44.dev20260713+nightly
codegen_flags: <defaults>
</compile_context>

<pallas_src>
import functools

import jax
import jax.numpy as jnp
from jax import lax
from jax.experimental import pallas as pl
from jax.experimental.pallas import tpu as pltpu
from jax.experimental.pallas import tpu_sc as plsc

SIGMA = 1.0
EPSILON = 1.0
CUTOFF = 2.5

NUM_CORES = 2
NUM_SUBCORES = 16
NUM_TILES = NUM_CORES * NUM_SUBCORES
LANES = 16
C_EDGES = 2560


def _round_up(x, m):
    return (x + m - 1) // m * m


@functools.partial(jax.jit,
                   static_argnames=("n_pad", "n_chunks", "n_edges"))
def _lj_call(px, py, pz, zf, mflat, tail_i, tail_j,
             n_pad, n_chunks, n_edges):
    rows_stage = n_pad // NUM_SUBCORES
    full = n_edges // C_EDGES
    rem = n_edges % C_EDGES
    last = full if rem else full - 1

    def body(*refs):
        (px_hbm, py_hbm, pz_hbm, zf_hbm, mflat_hbm,
         ti_hbm, tj_hbm, fpart, epart,
         px_sp, py_sp, pz_sp, fx_sp, fy_sp, fz_sp) = refs[:15]
        scr = refs[15:]
        ibs = tuple(scr[2 * b] for b in range(3))
        jbs = tuple(scr[2 * b + 1] for b in range(3))
        gbs = tuple(tuple(scr[6 + 6 * b + k] for k in range(6))
                    for b in range(3))
        fbs = tuple(tuple(scr[24 + 6 * b + k] for k in range(6))
                    for b in range(3))
        ev, bounce = scr[42:44]
        gsems = scr[44:47]
        ssems = scr[47:50]
        isem = scr[50]

        cid = lax.axis_index("c")
        sid = lax.axis_index("s")
        wid = cid * NUM_SUBCORES + sid
        r0 = sid * rows_stage
        sl = pl.ds(r0, rows_stage)
        for src_hbm, dst_sp in ((px_hbm, px_sp), (py_hbm, py_sp),
                                (pz_hbm, pz_sp), (zf_hbm, fx_sp),
                                (zf_hbm, fy_sp), (zf_hbm, fz_sp)):
            pltpu.sync_copy(src_hbm.at[sl], bounce)
            pltpu.sync_copy(bounce, dst_sp.at[sl])
        ev[...] = jnp.zeros((LANES,), jnp.float32)
        plsc.subcore_barrier()

        def chunk_id(c):
            return c * NUM_TILES + wid

        def fetch_fire(c, b):
            t = chunk_id(c)

            @pl.when(t < full)
            def _():
                ebase = t * C_EDGES
                pltpu.async_copy(mflat_hbm.at[pl.ds(ebase, C_EDGES)],
                                 ibs[b], isem)
                pltpu.async_copy(mflat_hbm.at[pl.ds(n_edges + ebase,
                                                    C_EDGES)], jbs[b], isem)

            if rem:
                @pl.when(t == full)
                def _():
                    pltpu.async_copy(ti_hbm, ibs[b], isem)
                    pltpu.async_copy(tj_hbm, jbs[b], isem)

            pltpu.make_async_copy(ti_hbm, ibs[b], isem).wait()
            pltpu.make_async_copy(tj_hbm, jbs[b], isem).wait()

            xbi, ybi, zbi, xbj, ybj, zbj = gbs[b]
            pltpu.async_copy(px_sp.at[ibs[b]], xbi, gsems[b])
            pltpu.async_copy(py_sp.at[ibs[b]], ybi, gsems[b])
            pltpu.async_copy(pz_sp.at[ibs[b]], zbi, gsems[b])
            pltpu.async_copy(px_sp.at[jbs[b]], xbj, gsems[b])
            pltpu.async_copy(py_sp.at[jbs[b]], ybj, gsems[b])
            pltpu.async_copy(pz_sp.at[jbs[b]], zbj, gsems[b])

        def drain_gathers(b):
            xbi, ybi, zbi, xbj, ybj, zbj = gbs[b]
            for dst in (xbi, ybi, zbi, xbj, ybj, zbj):
                pltpu.make_async_copy(px_sp.at[ibs[b]], dst, gsems[b]).wait()

        def fire_scatters(b):
            fxi, fyi, fzi, fxj, fyj, fzj = fbs[b]
            pltpu.async_copy(fxi, fx_sp.at[ibs[b]], ssems[b], add=True)
            pltpu.async_copy(fyi, fy_sp.at[ibs[b]], ssems[b], add=True)
            pltpu.async_copy(fzi, fz_sp.at[ibs[b]], ssems[b], add=True)
            pltpu.async_copy(fxj, fx_sp.at[jbs[b]], ssems[b], add=True)
            pltpu.async_copy(fyj, fy_sp.at[jbs[b]], ssems[b], add=True)
            pltpu.async_copy(fzj, fz_sp.at[jbs[b]], ssems[b], add=True)

        def drain_scatters(b):
            fxi, fyi, fzi, fxj, fyj, fzj = fbs[b]
            pltpu.make_async_copy(fxi, fx_sp.at[ibs[b]], ssems[b]).wait()
            pltpu.make_async_copy(fyi, fy_sp.at[ibs[b]], ssems[b]).wait()
            pltpu.make_async_copy(fzi, fz_sp.at[ibs[b]], ssems[b]).wait()
            pltpu.make_async_copy(fxj, fx_sp.at[jbs[b]], ssems[b]).wait()
            pltpu.make_async_copy(fyj, fy_sp.at[jbs[b]], ssems[b]).wait()
            pltpu.make_async_copy(fzj, fz_sp.at[jbs[b]], ssems[b]).wait()

        def compute(b):
            xbi, ybi, zbi, xbj, ybj, zbj = gbs[b]
            fxi, fyi, fzi, fxj, fyj, fzj = fbs[b]

            @plsc.parallel_loop(0, C_EDGES, step=LANES, unroll=4,
                                carry=jnp.zeros((LANES,), jnp.float32))
            def acc(g, e_acc):
                v = pl.ds(g, LANES)
                dx = xbj[v] - xbi[v]
                dy = ybj[v] - ybi[v]
                dz = zbj[v] - zbi[v]
                d2 = dx * dx + dy * dy + dz * dz
                valid = (d2 > 0.0) & (d2 < CUTOFF * CUTOFF)
                d2s = jnp.where(valid, d2, 1.0)
                inv = 1.0 / d2s
                inv3 = inv * inv * inv
                inv6 = inv3 * inv3
                e = jnp.where(valid, 4.0 * EPSILON * (inv6 - inv3), 0.0)
                fs = jnp.where(valid,
                               (24.0 * EPSILON * inv) * (2.0 * inv6 - inv3),
                               0.0)
                fx = fs * dx
                fy = fs * dy
                fz = fs * dz
                fxj[v] = fx
                fyj[v] = fy
                fzj[v] = fz
                fxi[v] = -fx
                fyi[v] = -fy
                fzi[v] = -fz
                return e_acc + e

            ev[...] = ev[...] + acc

        fetch_fire(0, 0)

        @pl.loop(0, n_chunks, step=3)
        def _trip(c):
            for b in (0, 1, 2):
                cc = c + b
                nxt = (b + 1) % 3

                @pl.when(chunk_id(cc + 1) <= last)
                def _():
                    @pl.when(cc >= 2)
                    def _():
                        drain_scatters(nxt)
                    fetch_fire(cc + 1, nxt)

                @pl.when(chunk_id(cc) <= last)
                def _():
                    drain_gathers(b)
                    compute(b)
                    fire_scatters(b)

        drain_scatters(0)
        drain_scatters(1)
        drain_scatters(2)
        plsc.subcore_barrier()
        base = cid * 3 * n_pad + r0
        for k, src_sp in enumerate((fx_sp, fy_sp, fz_sp)):
            pltpu.sync_copy(src_sp.at[sl], bounce)
            pltpu.sync_copy(bounce, fpart.at[pl.ds(base + k * n_pad,
                                                   rows_stage)])
        pltpu.sync_copy(ev, epart.at[pl.ds(wid * LANES, LANES)])

    mesh = plsc.VectorSubcoreMesh(core_axis_name="c", subcore_axis_name="s")
    fpart, epart = pl.kernel(
        body,
        out_type=[
            jax.ShapeDtypeStruct((NUM_CORES * 3 * n_pad,), jnp.float32),
            jax.ShapeDtypeStruct((NUM_TILES * LANES,), jnp.float32),
        ],
        mesh=mesh,
        scratch_types=(
            [pltpu.VMEM_SHARED((n_pad,), jnp.float32)] * 6
            + [pltpu.VMEM((C_EDGES,), jnp.int32)] * 6
            + [pltpu.VMEM((C_EDGES,), jnp.float32)] * 36
            + [pltpu.VMEM((LANES,), jnp.float32),
               pltpu.VMEM((n_pad // NUM_SUBCORES,), jnp.float32)]
            + [pltpu.SemaphoreType.DMA] * 7
        ),
    )(px, py, pz, zf, mflat, tail_i, tail_j)
    return fpart, epart


def kernel(positions, mapping):
    n = positions.shape[0]
    n_edges = mapping.shape[1]
    n_pad = _round_up(n, 128)
    total_chunks = (n_edges + C_EDGES - 1) // C_EDGES
    n_chunks = _round_up((total_chunks + NUM_TILES - 1) // NUM_TILES, 3)

    pos_pad = jnp.zeros((3, n_pad), jnp.float32).at[:, :n].set(positions.T)
    zf = jnp.zeros((n_pad,), jnp.float32)
    full = n_edges // C_EDGES
    rem = n_edges % C_EDGES
    spread = jnp.arange(C_EDGES, dtype=jnp.int32) % n
    if rem:
        keep = jnp.arange(C_EDGES) < rem
        tail_i = jnp.where(
            keep, jnp.pad(mapping[0, full * C_EDGES:], (0, C_EDGES - rem)),
            spread)
        tail_j = jnp.where(
            keep, jnp.pad(mapping[1, full * C_EDGES:], (0, C_EDGES - rem)),
            spread)
    else:
        tail_i = tail_j = spread

    fpart, epart = _lj_call(pos_pad[0], pos_pad[1], pos_pad[2], zf,
                            mapping.reshape(-1), tail_i, tail_j,
                            n_pad, n_chunks, n_edges)
    energy = 0.5 * jnp.sum(epart)
    fp = fpart.reshape(NUM_CORES, 3, n_pad)
    forces = (fp[0] + fp[1]).T[:n]
    return (energy, forces)

# --- scband reference (transcript-rebuilt; emitter-appended) ---
"""Pipeline reference for scband-unbatched-lennard-jones-model-30176440222232 (READ-ONLY COPY).

The authoritative reference and input builder live on the scoring server;
editing this copy changes nothing except your own understanding.
"""

import jax, jax.numpy as jnp
import numpy as np

SIGMA = 1.0
EPSILON = 1.0
CUTOFF = 2.5


def setup_inputs(seed: int = 0) -> dict:
    key = jax.random.key(seed)
    k1, k2 = jax.random.split(key)
    n_nodes = 50000
    n_edges = 3200000
    # positions scaled so pair distances straddle the 2.5 cutoff (typical MD density)
    positions = jax.random.normal(k1, (n_nodes, 3), dtype=jnp.float32) * 2.0
    # precomputed neighbor-list pairs (stands in for vesin_nl_ts output)
    mapping = jax.random.randint(k2, (2, n_edges), 0, n_nodes, dtype=jnp.int32)
    return {"positions": positions, "mapping": mapping}


def reference(positions, mapping):
    i = mapping[0]
    j = mapping[1]
    # get_pair_displacements (no PBC shifts; neighbor list precomputed)
    dr_vec = positions[j] - positions[i]
    d2 = jnp.sum(dr_vec * dr_vec, axis=-1)
    pos_mask = d2 > 0
    d2_safe = jnp.where(pos_mask, d2, 1.0)
    distances = jnp.sqrt(d2_safe)
    # lennard_jones_pair
    idr = SIGMA / distances
    idr2 = idr * idr
    idr6 = idr2 * idr2 * idr2
    idr12 = idr6 * idr6
    pair_energies = 4.0 * EPSILON * (idr12 - idr6)
    pair_energies = jnp.where(pos_mask, pair_energies, 0.0)
    cutoff_mask = distances < CUTOFF
    pair_energies = jnp.where(cutoff_mask, pair_energies, 0.0)
    energy = 0.5 * jnp.sum(pair_energies)
    # lennard_jones_pair_force
    pair_forces = 24.0 * EPSILON / distances * (2.0 * idr12 - idr6)
    pair_forces = jnp.where(pos_mask, pair_forces, 0.0)
    pair_forces = jnp.where(cutoff_mask, pair_forces, 0.0)
    force_vectors = (pair_forces / distances)[:, None] * dr_vec
    forces = jnp.zeros_like(positions)
    forces = forces.at[i].add(-force_vectors)
    forces = forces.at[j].add(force_vectors)
    return (energy, forces)

if __name__ == "__main__":
    import jax
    _d = setup_inputs()
    print(jax.jit(kernel)(*tuple(_d.values())))

</pallas_src>

<mosaic_0001>
#map = affine_map<(d0, d1) -> (0)>
module attributes {stable_mosaic.version = 14 : i64} {
  func.func @body(%arg0: i32, %arg1: i32, %arg2: memref<50048xf32, #tpu.memory_space<hbm>>, %arg3: memref<50048xf32, #tpu.memory_space<hbm>>, %arg4: memref<50048xf32, #tpu.memory_space<hbm>>, %arg5: memref<50048xf32, #tpu.memory_space<hbm>>, %arg6: memref<6400000xi32, #tpu.memory_space<hbm>>, %arg7: memref<2560xi32, #tpu.memory_space<hbm>>, %arg8: memref<2560xi32, #tpu.memory_space<hbm>>, %arg9: memref<300288xf32, #tpu.memory_space<hbm>>, %arg10: memref<512xf32, #tpu.memory_space<hbm>>, %arg11: memref<50048xf32, #tpu.memory_space<vmem_shared>>, %arg12: memref<50048xf32, #tpu.memory_space<vmem_shared>>, %arg13: memref<50048xf32, #tpu.memory_space<vmem_shared>>, %arg14: memref<50048xf32, #tpu.memory_space<vmem_shared>>, %arg15: memref<50048xf32, #tpu.memory_space<vmem_shared>>, %arg16: memref<50048xf32, #tpu.memory_space<vmem_shared>>, %arg17: memref<2560xi32, #tpu.memory_space<vmem>>, %arg18: memref<2560xi32, #tpu.memory_space<vmem>>, %arg19: memref<2560xi32, #tpu.memory_space<vmem>>, %arg20: memref<2560xi32, #tpu.memory_space<vmem>>, %arg21: memref<2560xi32, #tpu.memory_space<vmem>>, %arg22: memref<2560xi32, #tpu.memory_space<vmem>>, %arg23: memref<2560xf32, #tpu.memory_space<vmem>>, %arg24: memref<2560xf32, #tpu.memory_space<vmem>>, %arg25: memref<2560xf32, #tpu.memory_space<vmem>>, %arg26: memref<2560xf32, #tpu.memory_space<vmem>>, %arg27: memref<2560xf32, #tpu.memory_space<vmem>>, %arg28: memref<2560xf32, #tpu.memory_space<vmem>>, %arg29: memref<2560xf32, #tpu.memory_space<vmem>>, %arg30: memref<2560xf32, #tpu.memory_space<vmem>>, %arg31: memref<2560xf32, #tpu.memory_space<vmem>>, %arg32: memref<2560xf32, #tpu.memory_space<vmem>>, %arg33: memref<2560xf32, #tpu.memory_space<vmem>>, %arg34: memref<2560xf32, #tpu.memory_space<vmem>>, %arg35: memref<2560xf32, #tpu.memory_space<vmem>>, %arg36: memref<2560xf32, #tpu.memory_space<vmem>>, %arg37: memref<2560xf32, #tpu.memory_space<vmem>>, %arg38: memref<2560xf32, #tpu.memory_space<vmem>>, %arg39: memref<2560xf32, #tpu.memory_space<vmem>>, %arg40: memref<2560xf32, #tpu.memory_space<vmem>>, %arg41: memref<2560xf32, #tpu.memory_space<vmem>>, %arg42: memref<2560xf32, #tpu.memory_space<vmem>>, %arg43: memref<2560xf32, #tpu.memory_space<vmem>>, %arg44: memref<2560xf32, #tpu.memory_space<vmem>>, %arg45: memref<2560xf32, #tpu.memory_space<vmem>>, %arg46: memref<2560xf32, #tpu.memory_space<vmem>>, %arg47: memref<2560xf32, #tpu.memory_space<vmem>>, %arg48: memref<2560xf32, #tpu.memory_space<vmem>>, %arg49: memref<2560xf32, #tpu.memory_space<vmem>>, %arg50: memref<2560xf32, #tpu.memory_space<vmem>>, %arg51: memref<2560xf32, #tpu.memory_space<vmem>>, %arg52: memref<2560xf32, #tpu.memory_space<vmem>>, %arg53: memref<2560xf32, #tpu.memory_space<vmem>>, %arg54: memref<2560xf32, #tpu.memory_space<vmem>>, %arg55: memref<2560xf32, #tpu.memory_space<vmem>>, %arg56: memref<2560xf32, #tpu.memory_space<vmem>>, %arg57: memref<2560xf32, #tpu.memory_space<vmem>>, %arg58: memref<2560xf32, #tpu.memory_space<vmem>>, %arg59: memref<16xf32, #tpu.memory_space<vmem>>, %arg60: memref<3128xf32, #tpu.memory_space<vmem>>, %arg61: memref<!tpu.dma_semaphore, #tpu.memory_space<semaphore_mem>>, %arg62: memref<!tpu.dma_semaphore, #tpu.memory_space<semaphore_mem>>, %arg63: memref<!tpu.dma_semaphore, #tpu.memory_space<semaphore_mem>>, %arg64: memref<!tpu.dma_semaphore, #tpu.memory_space<semaphore_mem>>, %arg65: memref<!tpu.dma_semaphore, #tpu.memory_space<semaphore_mem>>, %arg66: memref<!tpu.dma_semaphore, #tpu.memory_space<semaphore_mem>>, %arg67: memref<!tpu.dma_semaphore, #tpu.memory_space<semaphore_mem>>) attributes {dimension_semantics = [#tpu.dimension_semantics<core_parallel>, #tpu.dimension_semantics<subcore_parallel>], iteration_bounds = array<i64: 2, 16>, scalar_prefetch = 0 : i64, scratch_operands = 57 : i64, tpu.core_type = #tpu.core_type<sc_vector_subcore>, window_params = [{transform_indices = #map}, {transform_indices = #map}, {transform_indices = #map}, {transform_indices = #map}, {transform_indices = #map}, {transform_indices = #map}, {transform_indices = #map}, {transform_indices = #map}, {transform_indices = #map}]} {
    %mul3A = arith.constant 16 : i32
    %mul3A_0 = arith.muli %arg0, %mul3A : i32
    %add3A = arith.addi %mul3A_0, %arg1 : i32
    %mul3A_1 = arith.constant 3128 : i32
    %mul3A_2 = arith.muli %arg1, %mul3A_1 : i32
    "tpu.region"() ({
      %run_scoped3A = tpu.sem_alloc : memref<!tpu.dma_semaphore, #tpu.memory_space<semaphore_mem>>
      %dma_start3A_75 = tpu.memref_slice %arg2[%mul3A_2] : memref<50048xf32, #tpu.memory_space<hbm>> -> memref<3128xf32, #tpu.memory_space<hbm>>
      %dma_start3A_76 = tpu.memref_slice %arg2[%mul3A_2] : memref<50048xf32, #tpu.memory_space<hbm>> -> memref<3128xf32, #tpu.memory_space<hbm>>
      tpu.enqueue_dma source(%dma_start3A_76 : memref<3128xf32, #tpu.memory_space<hbm>>) target(%arg60 : memref<3128xf32, #tpu.memory_space<vmem>>) target_semaphore(%run_scoped3A : memref<!tpu.dma_semaphore, #tpu.memory_space<semaphore_mem>>)
      %dma_wait3A_77 = tpu.memref_slice %arg2[%mul3A_2] : memref<50048xf32, #tpu.memory_space<hbm>> -> memref<3128xf32, #tpu.memory_space<hbm>>
      %dma_wait3A_78 = tpu.memref_slice %arg2[%mul3A_2] : memref<50048xf32, #tpu.memory_space<hbm>> -> memref<3128xf32, #tpu.memory_space<hbm>>
      tpu.wait_dma2 semaphore(%run_scoped3A : memref<!tpu.dma_semaphore, #tpu.memory_space<semaphore_mem>>) src(%dma_wait3A_78 : memref<3128xf32, #tpu.memory_space<hbm>>) dst(%arg60 : memref<3128xf32, #tpu.memory_space<vmem>>)
      tpu.yield
    }) : () -> ()
    "tpu.region"() ({
      %run_scoped3A = tpu.sem_alloc : memref<!tpu.dma_semaphore, #tpu.memory_space<semaphore_mem>>
      %dma_start3A_75 = tpu.memref_slice %arg11[%mul3A_2] : memref<50048xf32, #tpu.memory_space<vmem_shared>> -> memref<3128xf32, #tpu.memory_space<vmem_shared>>
      %dma_start3A_76 = tpu.memref_slice %arg11[%mul3A_2] : memref<50048xf32, #tpu.memory_space<vmem_shared>> -> memref<3128xf32, #tpu.memory_space<vmem_shared>>
      tpu.enqueue_dma source(%arg60 : memref<3128xf32, #tpu.memory_space<vmem>>) target(%dma_start3A_76 : memref<3128xf32, #tpu.memory_space<vmem_shared>>) target_semaphore(%run_scoped3A : memref<!tpu.dma_semaphore, #tpu.memory_space<semaphore_mem>>)
      %dma_wait3A_77 = tpu.memref_slice %arg11[%mul3A_2] : memref<50048xf32, #tpu.memory_space<vmem_shared>> -> memref<3128xf32, #tpu.memory_space<vmem_shared>>
      %dma_wait3A_78 = tpu.memref_slice %arg11[%mul3A_2] : memref<50048xf32, #tpu.memory_space<vmem_shared>> -> memref<3128xf32, #tpu.memory_space<vmem_shared>>
      tpu.wait_dma2 semaphore(%run_scoped3A : memref<!tpu.dma_semaphore, #tpu.memory_space<semaphore_mem>>) src(%arg60 : memref<3128xf32, #tpu.memory_space<vmem>>) dst(%dma_wait3A_78 : memref<3128xf32, #tpu.memory_space<vmem_shared>>)
      tpu.yield
    }) : () -> ()
    "tpu.region"() ({
      %run_scoped3A = tpu.sem_alloc : memref<!tpu.dma_semaphore, #tpu.memory_space<semaphore_mem>>
      %dma_start3A_75 = tpu.memref_slice %arg3[%mul3A_2] : memref<50048xf32, #tpu.memory_space<hbm>> -> memref<3128xf32, #tpu.memory_space<hbm>>
      %dma_start3A_76 = tpu.memref_slice %arg3[%mul3A_2] : memref<50048xf32, #tpu.memory_space<hbm>> -> memref<3128xf32, #tpu.memory_space<hbm>>
      tpu.enqueue_dma source(%dma_start3A_76 : memref<3128xf32, #tpu.memory_space<hbm>>) target(%arg60 : memref<3128xf32, #tpu.memory_space<vmem>>) target_semaphore(%run_scoped3A : memref<!tpu.dma_semaphore, #tpu.memory_space<semaphore_mem>>)
      %dma_wait3A_77 = tpu.memref_slice %arg3[%mul3A_2] : memref<50048xf32, #tpu.memory_space<hbm>> -> memref<3128xf32, #tpu.memory_space<hbm>>
      %dma_wait3A_78 = tpu.memref_slice %arg3[%mul3A_2] : memref<50048xf32, #tpu.memory_space<hbm>> -> memref<3128xf32, #tpu.memory_space<hbm>>
      tpu.wait_dma2 semaphore(%run_scoped3A : memref<!tpu.dma_semaphore, #tpu.memory_space<semaphore_mem>>) src(%dma_wait3A_78 : memref<3128xf32, #tpu.memory_space<hbm>>) dst(%arg60 : memref<3128xf32, #tpu.memory_space<vmem>>)
      tpu.yield
    }) : () -> ()
    "tpu.region"() ({
      %run_scoped3A = tpu.sem_alloc : memref<!tpu.dma_semaphore, #tpu.memory_space<semaphore_mem>>
      %dma_start3A_75 = tpu.memref_slice %arg12[%mul3A_2] : memref<50048xf32, #tpu.memory_space<vmem_shared>> -> memref<3128xf32, #tpu.memory_space<vmem_shared>>
      %dma_start3A_76 = tpu.memref_slice %arg12[%mul3A_2] : memref<50048xf32, #tpu.memory_space<vmem_shared>> -> memref<3128xf32, #tpu.memory_space<vmem_shared>>
      tpu.enqueue_dma source(%arg60 : memref<3128xf32, #tpu.memory_space<vmem>>) target(%dma_start3A_76 : memref<3128xf32, #tpu.memory_space<vmem_shared>>) target_semaphore(%run_scoped3A : memref<!tpu.dma_semaphore, #tpu.memory_space<semaphore_mem>>)
      %dma_wait3A_77 = tpu.memref_slice %arg12[%mul3A_2] : memref<50048xf32, #tpu.memory_space<vmem_shared>> -> memref<3128xf32, #tpu.memory_space<vmem_shared>>
      %dma_wait3A_78 = tpu.memref_slice %arg12[%mul3A_2] : memref<50048xf32, #tpu.memory_space<vmem_shared>> -> memref<3128xf32, #tpu.memory_space<vmem_shared>>
      tpu.wait_dma2 semaphore(%run_scoped3A : memref<!tpu.dma_semaphore, #tpu.memory_space<semaphore_mem>>) src(%arg60 : memref<3128xf32, #tpu.memory_space<vmem>>) dst(%dma_wait3A_78 : memref<3128xf32, #tpu.memory_space<vmem_shared>>)
      tpu.yield
    }) : () -> ()
    "tpu.region"() ({
      %run_scoped3A = tpu.sem_alloc : memref<!tpu.dma_semaphore, #tpu.memory_space<semaphore_mem>>
      %dma_start3A_75 = tpu.memref_slice %arg4[%mul3A_2] : memref<50048xf32, #tpu.memory_space<hbm>> -> memref<3128xf32, #tpu.memory_space<hbm>>
      %dma_start3A_76 = tpu.memref_slice %arg4[%mul3A_2] : memref<50048xf32, #tpu.memory_space<hbm>> -> memref<3128xf32, #tpu.memory_space<hbm>>
      tpu.enqueue_dma source(%dma_start3A_76 : memref<3128xf32, #tpu.memory_space<hbm>>) target(%arg60 : memref<3128xf32, #tpu.memory_space<vmem>>) target_semaphore(%run_scoped3A : memref<!tpu.dma_semaphore, #tpu.memory_space<semaphore_mem>>)
      %dma_wait3A_77 = tpu.memref_slice %arg4[%mul3A_2] : memref<50048xf32, #tpu.memory_space<hbm>> -> memref<3128xf32, #tpu.memory_space<hbm>>
      %dma_wait3A_78 = tpu.memref_slice %arg4[%mul3A_2] : memref<50048xf32, #tpu.memory_space<hbm>> -> memref<3128xf32, #tpu.memory_space<hbm>>
      tpu.wait_dma2 semaphore(%run_scoped3A : memref<!tpu.dma_semaphore, #tpu.memory_space<semaphore_mem>>) src(%dma_wait3A_78 : memref<3128xf32, #tpu.memory_space<hbm>>) dst(%arg60 : memref<3128xf32, #tpu.memory_space<vmem>>)
      tpu.yield
    }) : () -> ()
    "tpu.region"() ({
      %run_scoped3A = tpu.sem_alloc : memref<!tpu.dma_semaphore, #tpu.memory_space<semaphore_mem>>
      %dma_start3A_75 = tpu.memref_slice %arg13[%mul3A_2] : memref<50048xf32, #tpu.memory_space<vmem_shared>> -> memref<3128xf32, #tpu.memory_space<vmem_shared>>
      %dma_start3A_76 = tpu.memref_slice %arg13[%mul3A_2] : memref<50048xf32, #tpu.memory_space<vmem_shared>> -> memref<3128xf32, #tpu.memory_space<vmem_shared>>
      tpu.enqueue_dma source(%arg60 : memref<3128xf32, #tpu.memory_space<vmem>>) target(%dma_start3A_76 : memref<3128xf32, #tpu.memory_space<vmem_shared>>) target_semaphore(%run_scoped3A : memref<!tpu.dma_semaphore, #tpu.memory_space<semaphore_mem>>)
      %dma_wait3A_77 = tpu.memref_slice %arg13[%mul3A_2] : memref<50048xf32, #tpu.memory_space<vmem_shared>> -> memref<3128xf32, #tpu.memory_space<vmem_shared>>
      %dma_wait3A_78 = tpu.memref_slice %arg13[%mul3A_2] : memref<50048xf32, #tpu.memory_space<vmem_shared>> -> memref<3128xf32, #tpu.memory_space<vmem_shared>>
      tpu.wait_dma2 semaphore(%run_scoped3A : memref<!tpu.dma_semaphore, #tpu.memory_space<semaphore_mem>>) src(%arg60 : memref<3128xf32, #tpu.memory_space<vmem>>) dst(%dma_wait3A_78 : memref<3128xf32, #tpu.memory_space<vmem_shared>>)
      tpu.yield
    }) : () -> ()
    "tpu.region"() ({
      %run_scoped3A = tpu.sem_alloc : memref<!tpu.dma_semaphore, #tpu.memory_space<semaphore_mem>>
      %dma_start3A_75 = tpu.memref_slice %arg5[%mul3A_2] : memref<50048xf32, #tpu.memory_space<hbm>> -> memref<3128xf32, #tpu.memory_space<hbm>>
      %dma_start3A_76 = tpu.memref_slice %arg5[%mul3A_2] : memref<50048xf32, #tpu.memory_space<hbm>> -> memref<3128xf32, #tpu.memory_space<hbm>>
      tpu.enqueue_dma source(%dma_start3A_76 : memref<3128xf32, #tpu.memory_space<hbm>>) target(%arg60 : memref<3128xf32, #tpu.memory_space<vmem>>) target_semaphore(%run_scoped3A : memref<!tpu.dma_semaphore, #tpu.memory_space<semaphore_mem>>)
      %dma_wait3A_77 = tpu.memref_slice %arg5[%mul3A_2] : memref<50048xf32, #tpu.memory_space<hbm>> -> memref<3128xf32, #tpu.memory_space<hbm>>
      %dma_wait3A_78 = tpu.memref_slice %arg5[%mul3A_2] : memref<50048xf32, #tpu.memory_space<hbm>> -> memref<3128xf32, #tpu.memory_space<hbm>>
      tpu.wait_dma2 semaphore(%run_scoped3A : memref<!tpu.dma_semaphore, #tpu.memory_space<semaphore_mem>>) src(%dma_wait3A_78 : memref<3128xf32, #tpu.memory_space<hbm>>) dst(%arg60 : memref<3128xf32, #tpu.memory_space<vmem>>)
      tpu.yield
    }) : () -> ()
    "tpu.region"() ({
      %run_scoped3A = tpu.sem_alloc : memref<!tpu.dma_semaphore, #tpu.memory_space<semaphore_mem>>
      %dma_start3A_75 = tpu.memref_slice %arg14[%mul3A_2] : memref<50048xf32, #tpu.memory_space<vmem_shared>> -> memref<3128xf32, #tpu.memory_space<vmem_shared>>
      %dma_start3A_76 = tpu.memref_slice %arg14[%mul3A_2] : memref<50048xf32, #tpu.memory_space<vmem_shared>> -> memref<3128xf32, #tpu.memory_space<vmem_shared>>
      tpu.enqueue_dma source(%arg60 : memref<3128xf32, #tpu.memory_space<vmem>>) target(%dma_start3A_76 : memref<3128xf32, #tpu.memory_space<vmem_shared>>) target_semaphore(%run_scoped3A : memref<!tpu.dma_semaphore, #tpu.memory_space<semaphore_mem>>)
      %dma_wait3A_77 = tpu.memref_slice %arg14[%mul3A_2] : memref<50048xf32, #tpu.memory_space<vmem_shared>> -> memref<3128xf32, #tpu.memory_space<vmem_shared>>
      %dma_wait3A_78 = tpu.memref_slice %arg14[%mul3A_2] : memref<50048xf32, #tpu.memory_space<vmem_shared>> -> memref<3128xf32, #tpu.memory_space<vmem_shared>>
      tpu.wait_dma2 semaphore(%run_scoped3A : memref<!tpu.dma_semaphore, #tpu.memory_space<semaphore_mem>>) src(%arg60 : memref<3128xf32, #tpu.memory_space<vmem>>) dst(%dma_wait3A_78 : memref<3128xf32, #tpu.memory_space<vmem_shared>>)
      tpu.yield
    }) : () -> ()
    "tpu.region"() ({
      %run_scoped3A = tpu.sem_alloc : memref<!tpu.dma_semaphore, #tpu.memory_space<semaphore_mem>>
      %dma_start3A_75 = tpu.memref_slice %arg5[%mul3A_2] : memref<50048xf32, #tpu.memory_space<hbm>> -> memref<3128xf32, #tpu.memory_space<hbm>>
      %dma_start3A_76 = tpu.memref_slice %arg5[%mul3A_2] : memref<50048xf32, #tpu.memory_space<hbm>> -> memref<3128xf32, #tpu.memory_space<hbm>>
      tpu.enqueue_dma source(%dma_start3A_76 : memref<3128xf32, #tpu.memory_space<hbm>>) target(%arg60 : memref<3128xf32, #tpu.memory_space<vmem>>) target_semaphore(%run_scoped3A : memref<!tpu.dma_semaphore, #tpu.memory_space<semaphore_mem>>)
      %dma_wait3A_77 = tpu.memref_slice %arg5[%mul3A_2] : memref<50048xf32, #tpu.memory_space<hbm>> -> memref<3128xf32, #tpu.memory_space<hbm>>
      %dma_wait3A_78 = tpu.memref_slice %arg5[%mul3A_2] : memref<50048xf32, #tpu.memory_space<hbm>> -> memref<3128xf32, #tpu.memory_space<hbm>>
      tpu.wait_dma2 semaphore(%run_scoped3A : memref<!tpu.dma_semaphore, #tpu.memory_space<semaphore_mem>>) src(%dma_wait3A_78 : memref<3128xf32, #tpu.memory_space<hbm>>) dst(%arg60 : memref<3128xf32, #tpu.memory_space<vmem>>)
      tpu.yield
    }) : () -> ()
    "tpu.region"() ({
      %run_scoped3A = tpu.sem_alloc : memref<!tpu.dma_semaphore, #tpu.memory_space<semaphore_mem>>
      %dma_start3A_75 = tpu.memref_slice %arg15[%mul3A_2] : memref<50048xf32, #tpu.memory_space<vmem_shared>> -> memref<3128xf32, #tpu.memory_space<vmem_shared>>
      %dma_start3A_76 = tpu.memref_slice %arg15[%mul3A_2] : memref<50048xf32, #tpu.memory_space<vmem_shared>> -> memref<3128xf32, #tpu.memory_space<vmem_shared>>
      tpu.enqueue_dma source(%arg60 : memref<3128xf32, #tpu.memory_space<vmem>>) target(%dma_start3A_76 : memref<3128xf32, #tpu.memory_space<vmem_shared>>) target_semaphore(%run_scoped3A : memref<!tpu.dma_semaphore, #tpu.memory_space<semaphore_mem>>)
      %dma_wait3A_77 = tpu.memref_slice %arg15[%mul3A_2] : memref<50048xf32, #tpu.memory_space<vmem_shared>> -> memref<3128xf32, #tpu.memory_space<vmem_shared>>
      %dma_wait3A_78 = tpu.memref_slice %arg15[%mul3A_2] : memref<50048xf32, #tpu.memory_space<vmem_shared>> -> memref<3128xf32, #tpu.memory_space<vmem_shared>>
      tpu.wait_dma2 semaphore(%run_scoped3A : memref<!tpu.dma_semaphore, #tpu.memory_space<semaphore_mem>>) src(%arg60 : memref<3128xf32, #tpu.memory_space<vmem>>) dst(%dma_wait3A_78 : memref<3128xf32, #tpu.memory_space<vmem_shared>>)
      tpu.yield
    }) : () -> ()
    "tpu.region"() ({
      %run_scoped3A = tpu.sem_alloc : memref<!tpu.dma_semaphore, #tpu.memory_space<semaphore_mem>>
      %dma_start3A_75 = tpu.memref_slice %arg5[%mul3A_2] : memref<50048xf32, #tpu.memory_space<hbm>> -> memref<3128xf32, #tpu.memory_space<hbm>>
      %dma_start3A_76 = tpu.memref_slice %arg5[%mul3A_2] : memref<50048xf32, #tpu.memory_space<hbm>> -> memref<3128xf32, #tpu.memory_space<hbm>>
      tpu.enqueue_dma source(%dma_start3A_76 : memref<3128xf32, #tpu.memory_space<hbm>>) target(%arg60 : memref<3128xf32, #tpu.memory_space<vmem>>) target_semaphore(%run_scoped3A : memref<!tpu.dma_semaphore, #tpu.memory_space<semaphore_mem>>)
      %dma_wait3A_77 = tpu.memref_slice %arg5[%mul3A_2] : memref<50048xf32, #tpu.memory_space<hbm>> -> memref<3128xf32, #tpu.memory_space<hbm>>
      %dma_wait3A_78 = tpu.memref_slice %arg5[%mul3A_2] : memref<50048xf32, #tpu.memory_space<hbm>> -> memref<3128xf32, #tpu.memory_space<hbm>>
      tpu.wait_dma2 semaphore(%run_scoped3A : memref<!tpu.dma_semaphore, #tpu.memory_space<semaphore_mem>>) src(%dma_wait3A_78 : memref<3128xf32, #tpu.memory_space<hbm>>) dst(%arg60 : memref<3128xf32, #tpu.memory_space<vmem>>)
      tpu.yield
    }) : () -> ()
    "tpu.region"() ({
      %run_scoped3A = tpu.sem_alloc : memref<!tpu.dma_semaphore, #tpu.memory_space<semaphore_mem>>
      %dma_start3A_75 = tpu.memref_slice %arg16[%mul3A_2] : memref<50048xf32, #tpu.memory_space<vmem_shared>> -> memref<3128xf32, #tpu.memory_space<vmem_shared>>
      %dma_start3A_76 = tpu.memref_slice %arg16[%mul3A_2] : memref<50048xf32, #tpu.memory_space<vmem_shared>> -> memref<3128xf32, #tpu.memory_space<vmem_shared>>
      tpu.enqueue_dma source(%arg60 : memref<3128xf32, #tpu.memory_space<vmem>>) target(%dma_start3A_76 : memref<3128xf32, #tpu.memory_space<vmem_shared>>) target_semaphore(%run_scoped3A : memref<!tpu.dma_semaphore, #tpu.memory_space<semaphore_mem>>)
      %dma_wait3A_77 = tpu.memref_slice %arg16[%mul3A_2] : memref<50048xf32, #tpu.memory_space<vmem_shared>> -> memref<3128xf32, #tpu.memory_space<vmem_shared>>
      %dma_wait3A_78 = tpu.memref_slice %arg16[%mul3A_2] : memref<50048xf32, #tpu.memory_space<vmem_shared>> -> memref<3128xf32, #tpu.memory_space<vmem_shared>>
      tpu.wait_dma2 semaphore(%run_scoped3A : memref<!tpu.dma_semaphore, #tpu.memory_space<semaphore_mem>>) src(%arg60 : memref<3128xf32, #tpu.memory_space<vmem>>) dst(%dma_wait3A_78 : memref<3128xf32, #tpu.memory_space<vmem_shared>>)
      tpu.yield
    }) : () -> ()
    %broadcast_in_dim3A = arith.constant 0.000000e+00 : f32
    %broadcast_in_dim3A_3 = vector.broadcast %broadcast_in_dim3A : f32 to vector<16xf32>
    %swap3A = arith.constant 0 : index
    %swap3A_4 = tpu.vector_load %arg59[%swap3A] {strides = array<i32>} : memref<16xf32, #tpu.memory_space<vmem>>, vector<16xf32>,
    %swap3A_5 = vector.shape_cast %swap3A_4 : vector<16xf32> to vector<16xf32>
    %swap3A_6 = vector.shape_cast %broadcast_in_dim3A_3 : vector<16xf32> to vector<16xf32>
    tpu.vector_store %arg59[%swap3A], %swap3A_6 {strides = array<i32>} : memref<16xf32, #tpu.memory_space<vmem>>, vector<16xf32>,
    %barrier3A = arith.constant 0 : index
    tpu.barrier barrier_id(%barrier3A)
    %add3A_7 = arith.constant 0 : i32
    %add3A_8 = arith.addi %add3A_7, %add3A : i32
    %lt3A = arith.constant 1250 : i32
    %lt3A_9 = arith.cmpi slt, %add3A_8, %lt3A : i32
    %convert_element_type3A = arith.extui %lt3A_9 : i1 to i32
    %cond3A = arith.constant 0 : i32
    %cond3A_10 = arith.cmpi ne, %convert_element_type3A, %cond3A : i32
    scf.if %cond3A_10 {
      %mul3A_75 = arith.constant 2560 : i32
      %mul3A_76 = arith.muli %add3A_8, %mul3A_75 : i32
      %dma_start3A_77 = tpu.memref_slice %arg6[%mul3A_76] : memref<6400000xi32, #tpu.memory_space<hbm>> -> memref<2560xi32, #tpu.memory_space<hbm>>
      %dma_start3A_78 = tpu.memref_slice %arg6[%mul3A_76] : memref<6400000xi32, #tpu.memory_space<hbm>> -> memref<2560xi32, #tpu.memory_space<hbm>>
      tpu.enqueue_dma source(%dma_start3A_78 : memref<2560xi32, #tpu.memory_space<hbm>>) target(%arg17 : memref<2560xi32, #tpu.memory_space<vmem>>) target_semaphore(%arg67 : memref<!tpu.dma_semaphore, #tpu.memory_space<semaphore_mem>>)
      %add3A_79 = arith.constant 3200000 : i32
      %add3A_80 = arith.addi %add3A_79, %mul3A_76 : i32
      %dma_start3A_81 = tpu.memref_slice %arg6[%add3A_80] : memref<6400000xi32, #tpu.memory_space<hbm>> -> memref<2560xi32, #tpu.memory_space<hbm>>
      %dma_start3A_82 = tpu.memref_slice %arg6[%add3A_80] : memref<6400000xi32, #tpu.memory_space<hbm>> -> memref<2560xi32, #tpu.memory_space<hbm>>
      tpu.enqueue_dma source(%dma_start3A_82 : memref<2560xi32, #tpu.memory_space<hbm>>) target(%arg18 : memref<2560xi32, #tpu.memory_space<vmem>>) target_semaphore(%arg67 : memref<!tpu.dma_semaphore, #tpu.memory_space<semaphore_mem>>)
    } else {
    }
    tpu.wait_dma2 semaphore(%arg67 : memref<!tpu.dma_semaphore, #tpu.memory_space<semaphore_mem>>) src(%arg7 : memref<2560xi32, #tpu.memory_space<hbm>>) dst(%arg17 : memref<2560xi32, #tpu.memory_space<vmem>>)
    tpu.wait_dma2 semaphore(%arg67 : memref<!tpu.dma_semaphore, #tpu.memory_space<semaphore_mem>>) src(%arg8 : memref<2560xi32, #tpu.memory_space<hbm>>) dst(%arg18 : memref<2560xi32, #tpu.memory_space<vmem>>)
    %dma_start3A = arith.constant 0 : i32
    %dma_start3A_11 = tpu.memref_slice %arg11[%dma_start3A] : memref<50048xf32, #tpu.memory_space<vmem_shared>> -> memref<50048xf32, #tpu.memory_space<vmem_shared>>
    tpu.enqueue_indirect_dma source(%dma_start3A_11 : memref<50048xf32, #tpu.memory_space<vmem_shared>>) target(%arg23 : memref<2560xf32, #tpu.memory_space<vmem>>) offsets(%arg17 : memref<2560xi32, #tpu.memory_space<vmem>>) semaphore(%arg61 : memref<!tpu.dma_semaphore, #tpu.memory_space<semaphore_mem>>)
    %dma_start3A_12 = arith.constant 0 : i32
    %dma_start3A_13 = tpu.memref_slice %arg12[%dma_start3A_12] : memref<50048xf32, #tpu.memory_space<vmem_shared>> -> memref<50048xf32, #tpu.memory_space<vmem_shared>>
    tpu.enqueue_indirect_dma source(%dma_start3A_13 : memref<50048xf32, #tpu.memory_space<vmem_shared>>) target(%arg24 : memref<2560xf32, #tpu.memory_space<vmem>>) offsets(%arg17 : memref<2560xi32, #tpu.memory_space<vmem>>) semaphore(%arg61 : memref<!tpu.dma_semaphore, #tpu.memory_space<semaphore_mem>>)
    %dma_start3A_14 = arith.constant 0 : i32
    %dma_start3A_15 = tpu.memref_slice %arg13[%dma_start3A_14] : memref<50048xf32, #tpu.memory_space<vmem_shared>> -> memref<50048xf32, #tpu.memory_space<vmem_shared>>
    tpu.enqueue_indirect_dma source(%dma_start3A_15 : memref<50048xf32, #tpu.memory_space<vmem_shared>>) target(%arg25 : memref<2560xf32, #tpu.memory_space<vmem>>) offsets(%arg17 : memref<2560xi32, #tpu.memory_space<vmem>>) semaphore(%arg61 : memref<!tpu.dma_semaphore, #tpu.memory_space<semaphore_mem>>)
    %dma_start3A_16 = arith.constant 0 : i32
    %dma_start3A_17 = tpu.memref_slice %arg11[%dma_start3A_16] : memref<50048xf32, #tpu.memory_space<vmem_shared>> -> memref<50048xf32, #tpu.memory_space<vmem_shared>>
    tpu.enqueue_indirect_dma source(%dma_start3A_17 : memref<50048xf32, #tpu.memory_space<vmem_shared>>) target(%arg26 : memref<2560xf32, #tpu.memory_space<vmem>>) offsets(%arg18 : memref<2560xi32, #tpu.memory_space<vmem>>) semaphore(%arg61 : memref<!tpu.dma_semaphore, #tpu.memory_space<semaphore_mem>>)
    %dma_start3A_18 = arith.constant 0 : i32
    %dma_start3A_19 = tpu.memref_slice %arg12[%dma_start3A_18] : memref<50048xf32, #tpu.memory_space<vmem_shared>> -> memref<50048xf32, #tpu.memory_space<vmem_shared>>
    tpu.enqueue_indirect_dma source(%dma_start3A_19 : memref<50048xf32, #tpu.memory_space<vmem_shared>>) target(%arg27 : memref<2560xf32, #tpu.memory_space<vmem>>) offsets(%arg18 : memref<2560xi32, #tpu.memory_space<vmem>>) semaphore(%arg61 : memref<!tpu.dma_semaphore, #tpu.memory_space<semaphore_mem>>)
    %dma_start3A_20 = arith.constant 0 : i32
    %dma_start3A_21 = tpu.memref_slice %arg13[%dma_start3A_20] : memref<50048xf32, #tpu.memory_space<vmem_shared>> -> memref<50048xf32, #tpu.memory_space<vmem_shared>>
    tpu.enqueue_indirect_dma source(%dma_start3A_21 : memref<50048xf32, #tpu.memory_space<vmem_shared>>) target(%arg28 : memref<2560xf32, #tpu.memory_space<vmem>>) offsets(%arg18 : memref<2560xi32, #tpu.memory_space<vmem>>) semaphore(%arg61 : memref<!tpu.dma_semaphore, #tpu.memory_space<semaphore_mem>>)
    %scan3A = arith.constant 0 : i32
    %scan3A_22 = arith.constant 14 : i32
    %scan3A_23 = arith.addi %scan3A, %scan3A_22 : i32
    %scan3A_24 = arith.constant 1 : i32
    scf.for %scan3A_75 = %scan3A to %scan3A_23 step %scan3A_24  : i32 {
      %mul3A_76 = arith.constant 3 : i32
      %mul3A_77 = arith.muli %scan3A_75, %mul3A_76 : i32
      %add3A_78 = arith.constant 0 : i32
      %add3A_79 = arith.addi %add3A_78, %mul3A_77 : i32
      %add3A_80 = arith.constant 0 : i32
      %add3A_81 = arith.addi %add3A_79, %add3A_80 : i32
      %add3A_82 = arith.constant 1 : i32
      %add3A_83 = arith.addi %add3A_81, %add3A_82 : i32
      %mul3A_84 = arith.constant 32 : i32
      %mul3A_85 = arith.muli %add3A_83, %mul3A_84 : i32
      %add3A_86 = arith.addi %mul3A_85, %add3A : i32
      %le3A = arith.constant 1249 : i32
      %le3A_87 = arith.cmpi sle, %add3A_86, %le3A : i32
      %convert_element_type3A_88 = arith.extui %le3A_87 : i1 to i32
      %cond3A_89 = arith.constant 0 : i32
      %cond3A_90 = arith.cmpi ne, %convert_element_type3A_88, %cond3A_89 : i32
      scf.if %cond3A_90 {
        %ge3A = arith.constant 2 : i32
        %ge3A_139 = arith.cmpi sge, %add3A_81, %ge3A : i32
        %convert_element_type3A_140 = arith.extui %ge3A_139 : i1 to i32
        %cond3A_141 = arith.constant 0 : i32
        %cond3A_142 = arith.cmpi ne, %convert_element_type3A_140, %cond3A_141 : i32
        scf.if %cond3A_142 {
          %dma_wait3A_165 = arith.constant 0 : i32
          %dma_wait3A_166 = tpu.memref_slice %arg14[%dma_wait3A_165] : memref<50048xf32, #tpu.memory_space<vmem_shared>> -> memref<50048xf32, #tpu.memory_space<vmem_shared>>
          tpu.wait_indirect_dma semaphore(%arg65 : memref<!tpu.dma_semaphore, #tpu.memory_space<semaphore_mem>>) src(%arg47 : memref<2560xf32, #tpu.memory_space<vmem>>) dst(%dma_wait3A_166 : memref<50048xf32, #tpu.memory_space<vmem_shared>>)
          %dma_wait3A_167 = arith.constant 0 : i32
          %dma_wait3A_168 = tpu.memref_slice %arg15[%dma_wait3A_167] : memref<50048xf32, #tpu.memory_space<vmem_shared>> -> memref<50048xf32, #tpu.memory_space<vmem_shared>>
          tpu.wait_indirect_dma semaphore(%arg65 : memref<!tpu.dma_semaphore, #tpu.memory_space<semaphore_mem>>) src(%arg48 : memref<2560xf32, #tpu.memory_space<vmem>>) dst(%dma_wait3A_168 : memref<50048xf32, #tpu.memory_space<vmem_shared>>)
          %dma_wait3A_169 = arith.constant 0 : i32
          %dma_wait3A_170 = tpu.memref_slice %arg16[%dma_wait3A_169] : memref<50048xf32, #tpu.memory_space<vmem_shared>> -> memref<50048xf32, #tpu.memory_space<vmem_shared>>
          tpu.wait_indirect_dma semaphore(%arg65 : memref<!tpu.dma_semaphore, #tpu.memory_space<semaphore_mem>>) src(%arg49 : memref<2560xf32, #tpu.memory_space<vmem>>) dst(%dma_wait3A_170 : memref<50048xf32, #tpu.memory_space<vmem_shared>>)
          %dma_wait3A_171 = arith.constant 0 : i32
          %dma_wait3A_172 = tpu.memref_slice %arg14[%dma_wait3A_171] : memref<50048xf32, #tpu.memory_space<vmem_shared>> -> memref<50048xf32, #tpu.memory_space<vmem_shared>>
          tpu.wait_indirect_dma semaphore(%arg65 : memref<!tpu.dma_semaphore, #tpu.memory_space<semaphore_mem>>) src(%arg50 : memref<2560xf32, #tpu.memory_space<vmem>>) dst(%dma_wait3A_172 : memref<50048xf32, #tpu.memory_space<vmem_shared>>)
          %dma_wait3A_173 = arith.constant 0 : i32
          %dma_wait3A_174 = tpu.memref_slice %arg15[%dma_wait3A_173] : memref<50048xf32, #tpu.memory_space<vmem_shared>> -> memref<50048xf32, #tpu.memory_space<vmem_shared>>
          tpu.wait_indirect_dma semaphore(%arg65 : memref<!tpu.dma_semaphore, #tpu.memory_space<semaphore_mem>>) src(%arg51 : memref<2560xf32, #tpu.memory_space<vmem>>) dst(%dma_wait3A_174 : memref<50048xf32, #tpu.memory_space<vmem_shared>>)
          %dma_wait3A_175 = arith.constant 0 : i32
          %dma_wait3A_176 = tpu.memref_slice %arg16[%dma_wait3A_175] : memref<50048xf32, #tpu.memory_space<vmem_shared>> -> memref<50048xf32, #tpu.memory_space<vmem_shared>>
          tpu.wait_indirect_dma semaphore(%arg65 : memref<!tpu.dma_semaphore, #tpu.memory_space<semaphore_mem>>) src(%arg52 : memref<2560xf32, #tpu.memory_space<vmem>>) dst(%dma_wait3A_176 : memref<50048xf32, #tpu.memory_space<vmem_shared>>)
        } else {
        }
        %add3A_143 = arith.constant 1 : i32
        %add3A_144 = arith.addi %add3A_81, %add3A_143 : i32
        %mul3A_145 = arith.constant 32 : i32
        %mul3A_146 = arith.muli %add3A_144, %mul3A_145 : i32
        %add3A_147 = arith.addi %mul3A_146, %add3A : i32
        %lt3A_148 = arith.constant 1250 : i32
        %lt3A_149 = arith.cmpi slt, %add3A_147, %lt3A_148 : i32
        %convert_element_type3A_150 = arith.extui %lt3A_149 : i1 to i32
        %cond3A_151 = arith.constant 0 : i32
        %cond3A_152 = arith.cmpi ne, %convert_element_type3A_150, %cond3A_151 : i32
        scf.if %cond3A_152 {
          %mul3A_165 = arith.constant 2560 : i32
          %mul3A_166 = arith.muli %add3A_147, %mul3A_165 : i32
          %dma_start3A_167 = tpu.memref_slice %arg6[%mul3A_166] : memref<6400000xi32, #tpu.memory_space<hbm>> -> memref<2560xi32, #tpu.memory_space<hbm>>
          %dma_start3A_168 = tpu.memref_slice %arg6[%mul3A_166] : memref<6400000xi32, #tpu.memory_space<hbm>> -> memref<2560xi32, #tpu.memory_space<hbm>>
          tpu.enqueue_dma source(%dma_start3A_168 : memref<2560xi32, #tpu.memory_space<hbm>>) target(%arg19 : memref<2560xi32, #tpu.memory_space<vmem>>) target_semaphore(%arg67 : memref<!tpu.dma_semaphore, #tpu.memory_space<semaphore_mem>>)
          %add3A_169 = arith.constant 3200000 : i32
          %add3A_170 = arith.addi %add3A_169, %mul3A_166 : i32
          %dma_start3A_171 = tpu.memref_slice %arg6[%add3A_170] : memref<6400000xi32, #tpu.memory_space<hbm>> -> memref<2560xi32, #tpu.memory_space<hbm>>
          %dma_start3A_172 = tpu.memref_slice %arg6[%add3A_170] : memref<6400000xi32, #tpu.memory_space<hbm>> -> memref<2560xi32, #tpu.memory_space<hbm>>
          tpu.enqueue_dma source(%dma_start3A_172 : memref<2560xi32, #tpu.memory_space<hbm>>) target(%arg20 : memref<2560xi32, #tpu.memory_space<vmem>>) target_semaphore(%arg67 : memref<!tpu.dma_semaphore, #tpu.memory_space<semaphore_mem>>)
        } else {
        }
        tpu.wait_dma2 semaphore(%arg67 : memref<!tpu.dma_semaphore, #tpu.memory_space<semaphore_mem>>) src(%arg7 : memref<2560xi32, #tpu.memory_space<hbm>>) dst(%arg19 : memref<2560xi32, #tpu.memory_space<vmem>>)
        tpu.wait_dma2 semaphore(%arg67 : memref<!tpu.dma_semaphore, #tpu.memory_space<semaphore_mem>>) src(%arg8 : memref<2560xi32, #tpu.memory_space<hbm>>) dst(%arg20 : memref<2560xi32, #tpu.memory_space<vmem>>)
        %dma_start3A_153 = arith.constant 0 : i32
        %dma_start3A_154 = tpu.memref_slice %arg11[%dma_start3A_153] : memref<50048xf32, #tpu.memory_space<vmem_shared>> -> memref<50048xf32, #tpu.memory_space<vmem_shared>>
        tpu.enqueue_indirect_dma source(%dma_start3A_154 : memref<50048xf32, #tpu.memory_space<vmem_shared>>) target(%arg29 : memref<2560xf32, #tpu.memory_space<vmem>>) offsets(%arg19 : memref<2560xi32, #tpu.memory_space<vmem>>) semaphore(%arg62 : memref<!tpu.dma_semaphore, #tpu.memory_space<semaphore_mem>>)
        %dma_start3A_155 = arith.constant 0 : i32
        %dma_start3A_156 = tpu.memref_slice %arg12[%dma_start3A_155] : memref<50048xf32, #tpu.memory_space<vmem_shared>> -> memref<50048xf32, #tpu.memory_space<vmem_shared>>
        tpu.enqueue_indirect_dma source(%dma_start3A_156 : memref<50048xf32, #tpu.memory_space<vmem_shared>>) target(%arg30 : memref<2560xf32, #tpu.memory_space<vmem>>) offsets(%arg19 : memref<2560xi32, #tpu.memory_space<vmem>>) semaphore(%arg62 : memref<!tpu.dma_semaphore, #tpu.memory_space<semaphore_mem>>)
        %dma_start3A_157 = arith.constant 0 : i32
        %dma_start3A_158 = tpu.memref_slice %arg13[%dma_start3A_157] : memref<50048xf32, #tpu.memory_space<vmem_shared>> -> memref<50048xf32, #tpu.memory_space<vmem_shared>>
        tpu.enqueue_indirect_dma source(%dma_start3A_158 : memref<50048xf32, #tpu.memory_space<vmem_shared>>) target(%arg31 : memref<2560xf32, #tpu.memory_space<vmem>>) offsets(%arg19 : memref<2560xi32, #tpu.memory_space<vmem>>) semaphore(%arg62 : memref<!tpu.dma_semaphore, #tpu.memory_space<semaphore_mem>>)
        %dma_start3A_159 = arith.constant 0 : i32
        %dma_start3A_160 = tpu.memref_slice %arg11[%dma_start3A_159] : memref<50048xf32, #tpu.memory_space<vmem_shared>> -> memref<50048xf32, #tpu.memory_space<vmem_shared>>
        tpu.enqueue_indirect_dma source(%dma_start3A_160 : memref<50048xf32, #tpu.memory_space<vmem_shared>>) target(%arg32 : memref<2560xf32, #tpu.memory_space<vmem>>) offsets(%arg20 : memref<2560xi32, #tpu.memory_space<vmem>>) semaphore(%arg62 : memref<!tpu.dma_semaphore, #tpu.memory_space<semaphore_mem>>)
        %dma_start3A_161 = arith.constant 0 : i32
        %dma_start3A_162 = tpu.memref_slice %arg12[%dma_start3A_161] : memref<50048xf32, #tpu.memory_space<vmem_shared>> -> memref<50048xf32, #tpu.memory_space<vmem_shared>>
        tpu.enqueue_indirect_dma source(%dma_start3A_162 : memref<50048xf32, #tpu.memory_space<vmem_shared>>) target(%arg33 : memref<2560xf32, #tpu.memory_space<vmem>>) offsets(%arg20 : memref<2560xi32, #tpu.memory_space<vmem>>) semaphore(%arg62 : memref<!tpu.dma_semaphore, #tpu.memory_space<semaphore_mem>>)
        %dma_start3A_163 = arith.constant 0 : i32
        %dma_start3A_164 = tpu.memref_slice %arg13[%dma_start3A_163] : memref<50048xf32, #tpu.memory_space<vmem_shared>> -> memref<50048xf32, #tpu.memory_space<vmem_shared>>
        tpu.enqueue_indirect_dma source(%dma_start3A_164 : memref<50048xf32, #tpu.memory_space<vmem_shared>>) target(%arg34 : memref<2560xf32, #tpu.memory_space<vmem>>) offsets(%arg20 : memref<2560xi32, #tpu.memory_space<vmem>>) semaphore(%arg62 : memref<!tpu.dma_semaphore, #tpu.memory_space<semaphore_mem>>)
      } else {
      }
      %mul3A_91 = arith.constant 32 : i32
      %mul3A_92 = arith.muli %add3A_81, %mul3A_91 : i32
      %add3A_93 = arith.addi %mul3A_92, %add3A : i32
      %le3A_94 = arith.constant 1249 : i32
      %le3A_95 = arith.cmpi sle, %add3A_93, %le3A_94 : i32
      %convert_element_type3A_96 = arith.extui %le3A_95 : i1 to i32
      %cond3A_97 = arith.constant 0 : i32
      %cond3A_98 = arith.cmpi ne, %convert_element_type3A_96, %cond3A_97 : i32
      scf.if %cond3A_98 {
        %dma_wait3A_139 = arith.constant 0 : i32
        %dma_wait3A_140 = tpu.memref_slice %arg11[%dma_wait3A_139] : memref<50048xf32, #tpu.memory_space<vmem_shared>> -> memref<50048xf32, #tpu.memory_space<vmem_shared>>
        tpu.wait_indirect_dma semaphore(%arg61 : memref<!tpu.dma_semaphore, #tpu.memory_space<semaphore_mem>>) src(%dma_wait3A_140 : memref<50048xf32, #tpu.memory_space<vmem_shared>>) dst(%arg23 : memref<2560xf32, #tpu.memory_space<vmem>>)
        %dma_wait3A_141 = arith.constant 0 : i32
        %dma_wait3A_142 = tpu.memref_slice %arg11[%dma_wait3A_141] : memref<50048xf32, #tpu.memory_space<vmem_shared>> -> memref<50048xf32, #tpu.memory_space<vmem_shared>>
        tpu.wait_indirect_dma semaphore(%arg61 : memref<!tpu.dma_semaphore, #tpu.memory_space<semaphore_mem>>) src(%dma_wait3A_142 : memref<50048xf32, #tpu.memory_space<vmem_shared>>) dst(%arg24 : memref<2560xf32, #tpu.memory_space<vmem>>)
        %dma_wait3A_143 = arith.constant 0 : i32
        %dma_wait3A_144 = tpu.memref_slice %arg11[%dma_wait3A_143] : memref<50048xf32, #tpu.memory_space<vmem_shared>> -> memref<50048xf32, #tpu.memory_space<vmem_shared>>
        tpu.wait_indirect_dma semaphore(%arg61 : memref<!tpu.dma_semaphore, #tpu.memory_space<semaphore_mem>>) src(%dma_wait3A_144 : memref<50048xf32, #tpu.memory_space<vmem_shared>>) dst(%arg25 : memref<2560xf32, #tpu.memory_space<vmem>>)
        %dma_wait3A_145 = arith.constant 0 : i32
        %dma_wait3A_146 = tpu.memref_slice %arg11[%dma_wait3A_145] : memref<50048xf32, #tpu.memory_space<vmem_shared>> -> memref<50048xf32, #tpu.memory_space<vmem_shared>>
        tpu.wait_indirect_dma semaphore(%arg61 : memref<!tpu.dma_semaphore, #tpu.memory_space<semaphore_mem>>) src(%dma_wait3A_146 : memref<50048xf32, #tpu.memory_space<vmem_shared>>) dst(%arg26 : memref<2560xf32, #tpu.memory_space<vmem>>)
        %dma_wait3A_147 = arith.constant 0 : i32
        %dma_wait3A_148 = tpu.memref_slice %arg11[%dma_wait3A_147] : memref<50048xf32, #tpu.memory_space<vmem_shared>> -> memref<50048xf32, #tpu.memory_space<vmem_shared>>
        tpu.wait_indirect_dma semaphore(%arg61 : memref<!tpu.dma_semaphore, #tpu.memory_space<semaphore_mem>>) src(%dma_wait3A_148 : memref<50048xf32, #tpu.memory_space<vmem_shared>>) dst(%arg27 : memref<2560xf32, #tpu.memory_space<vmem>>)
        %dma_wait3A_149 = arith.constant 0 : i32
        %dma_wait3A_150 = tpu.memref_slice %arg11[%dma_wait3A_149] : memref<50048xf32, #tpu.memory_space<vmem_shared>> -> memref<50048xf32, #tpu.memory_space<vmem_shared>>
        tpu.wait_indirect_dma semaphore(%arg61 : memref<!tpu.dma_semaphore, #tpu.memory_space<semaphore_mem>>) src(%dma_wait3A_150 : memref<50048xf32, #tpu.memory_space<vmem_shared>>) dst(%arg28 : memref<2560xf32, #tpu.memory_space<vmem>>)
        %broadcast_in_dim3A_151 = arith.constant 0.000000e+00 : f32
        %broadcast_in_dim3A_152 = vector.broadcast %broadcast_in_dim3A_151 : f32 to vector<16xf32>
        %parallel_loop3A = arith.constant 0 : i32
        %parallel_loop3A_153 = arith.constant 2560 : i32
        %parallel_loop3A_154 = arith.constant 16 : i32
        %parallel_loop3A_155 = scf.for %parallel_loop3A_175 = %parallel_loop3A to %parallel_loop3A_153 step %parallel_loop3A_154 iter_args(%parallel_loop3A_176 = %broadcast_in_dim3A_152) -> (vector<16xf32>)  : i32 {
          %parallel_loop3A_177 = arith.index_cast %parallel_loop3A_175 : i32 to index
          %parallel_loop3A_178 = tpu.vector_load %arg26[%parallel_loop3A_177] {strides = array<i32>} : memref<2560xf32, #tpu.memory_space<vmem>>, vector<16xf32>,
          %parallel_loop3A_179 = vector.shape_cast %parallel_loop3A_178 : vector<16xf32> to vector<16xf32>
          %parallel_loop3A_180 = arith.index_cast %parallel_loop3A_175 : i32 to index
          %parallel_loop3A_181 = tpu.vector_load %arg23[%parallel_loop3A_180] {strides = array<i32>} : memref<2560xf32, #tpu.memory_space<vmem>>, vector<16xf32>,
          %parallel_loop3A_182 = vector.shape_cast %parallel_loop3A_181 : vector<16xf32> to vector<16xf32>
          %parallel_loop3A_183 = arith.subf %parallel_loop3A_179, %parallel_loop3A_182 : vector<16xf32>
          %parallel_loop3A_184 = arith.index_cast %parallel_loop3A_175 : i32 to index
          %parallel_loop3A_185 = tpu.vector_load %arg27[%parallel_loop3A_184] {strides = array<i32>} : memref<2560xf32, #tpu.memory_space<vmem>>, vector<16xf32>,
          %parallel_loop3A_186 = vector.shape_cast %parallel_loop3A_185 : vector<16xf32> to vector<16xf32>
          %parallel_loop3A_187 = arith.index_cast %parallel_loop3A_175 : i32 to index
          %parallel_loop3A_188 = tpu.vector_load %arg24[%parallel_loop3A_187] {strides = array<i32>} : memref<2560xf32, #tpu.memory_space<vmem>>, vector<16xf32>,
          %parallel_loop3A_189 = vector.shape_cast %parallel_loop3A_188 : vector<16xf32> to vector<16xf32>
          %parallel_loop3A_190 = arith.subf %parallel_loop3A_186, %parallel_loop3A_189 : vector<16xf32>
          %parallel_loop3A_191 = arith.index_cast %parallel_loop3A_175 : i32 to index
          %parallel_loop3A_192 = tpu.vector_load %arg28[%parallel_loop3A_191] {strides = array<i32>} : memref<2560xf32, #tpu.memory_space<vmem>>, vector<16xf32>,
          %parallel_loop3A_193 = vector.shape_cast %parallel_loop3A_192 : vector<16xf32> to vector<16xf32>
          %parallel_loop3A_194 = arith.index_cast %parallel_loop3A_175 : i32 to index
          %parallel_loop3A_195 = tpu.vector_load %arg25[%parallel_loop3A_194] {strides = array<i32>} : memref<2560xf32, #tpu.memory_space<vmem>>, vector<16xf32>,
          %parallel_loop3A_196 = vector.shape_cast %parallel_loop3A_195 : vector<16xf32> to vector<16xf32>
          %parallel_loop3A_197 = arith.subf %parallel_loop3A_193, %parallel_loop3A_196 : vector<16xf32>
          %parallel_loop3A_198 = arith.mulf %parallel_loop3A_183, %parallel_loop3A_183 : vector<16xf32>
          %parallel_loop3A_199 = arith.mulf %parallel_loop3A_190, %parallel_loop3A_190 : vector<16xf32>
          %parallel_loop3A_200 = arith.addf %parallel_loop3A_198, %parallel_loop3A_199 : vector<16xf32>
          %parallel_loop3A_201 = arith.mulf %parallel_loop3A_197, %parallel_loop3A_197 : vector<16xf32>
          %parallel_loop3A_202 = arith.addf %parallel_loop3A_200, %parallel_loop3A_201 : vector<16xf32>
          %parallel_loop3A_203 = arith.constant 0.000000e+00 : f32
          %parallel_loop3A_204 = vector.broadcast %parallel_loop3A_203 : f32 to vector<16xf32>
          %parallel_loop3A_205 = arith.cmpf ogt, %parallel_loop3A_202, %parallel_loop3A_204 : vector<16xf32>
          %parallel_loop3A_206 = arith.constant 6.250000e+00 : f32
          %parallel_loop3A_207 = vector.broadcast %parallel_loop3A_206 : f32 to vector<16xf32>
          %parallel_loop3A_208 = arith.cmpf olt, %parallel_loop3A_202, %parallel_loop3A_207 : vector<16xf32>
          %parallel_loop3A_209 = arith.andi %parallel_loop3A_205, %parallel_loop3A_208 : vector<16xi1>
          %parallel_loop3A_210 = arith.constant 1.000000e+00 : f32
          %parallel_loop3A_211 = vector.broadcast %parallel_loop3A_210 : f32 to vector<16xf32>
          %parallel_loop3A_212 = arith.select %parallel_loop3A_209, %parallel_loop3A_202, %parallel_loop3A_211 : vector<16xi1>, vector<16xf32>
          %parallel_loop3A_213 = arith.constant 1.000000e+00 : f32
          %parallel_loop3A_214 = vector.broadcast %parallel_loop3A_213 : f32 to vector<16xf32>
          %parallel_loop3A_215 = arith.divf %parallel_loop3A_214, %parallel_loop3A_212 : vector<16xf32>
          %parallel_loop3A_216 = arith.mulf %parallel_loop3A_215, %parallel_loop3A_215 : vector<16xf32>
          %parallel_loop3A_217 = arith.mulf %parallel_loop3A_216, %parallel_loop3A_215 : vector<16xf32>
          %parallel_loop3A_218 = arith.mulf %parallel_loop3A_217, %parallel_loop3A_217 : vector<16xf32>
          %parallel_loop3A_219 = arith.subf %parallel_loop3A_218, %parallel_loop3A_217 : vector<16xf32>
          %parallel_loop3A_220 = arith.constant 4.000000e+00 : f32
          %parallel_loop3A_221 = vector.broadcast %parallel_loop3A_220 : f32 to vector<16xf32>
          %parallel_loop3A_222 = arith.mulf %parallel_loop3A_221, %parallel_loop3A_219 : vector<16xf32>
          %parallel_loop3A_223 = arith.constant 0.000000e+00 : f32
          %parallel_loop3A_224 = vector.broadcast %parallel_loop3A_223 : f32 to vector<16xf32>
          %parallel_loop3A_225 = arith.select %parallel_loop3A_209, %parallel_loop3A_222, %parallel_loop3A_224 : vector<16xi1>, vector<16xf32>
          %parallel_loop3A_226 = arith.constant 2.400000e+01 : f32
          %parallel_loop3A_227 = vector.broadcast %parallel_loop3A_226 : f32 to vector<16xf32>
          %parallel_loop3A_228 = arith.mulf %parallel_loop3A_227, %parallel_loop3A_215 : vector<16xf32>
          %parallel_loop3A_229 = arith.constant 2.000000e+00 : f32
          %parallel_loop3A_230 = vector.broadcast %parallel_loop3A_229 : f32 to vector<16xf32>
          %parallel_loop3A_231 = arith.mulf %parallel_loop3A_230, %parallel_loop3A_218 : vector<16xf32>
          %parallel_loop3A_232 = arith.subf %parallel_loop3A_231, %parallel_loop3A_217 : vector<16xf32>
          %parallel_loop3A_233 = arith.mulf %parallel_loop3A_228, %parallel_loop3A_232 : vector<16xf32>
          %parallel_loop3A_234 = arith.constant 0.000000e+00 : f32
          %parallel_loop3A_235 = vector.broadcast %parallel_loop3A_234 : f32 to vector<16xf32>
          %parallel_loop3A_236 = arith.select %parallel_loop3A_209, %parallel_loop3A_233, %parallel_loop3A_235 : vector<16xi1>, vector<16xf32>
          %parallel_loop3A_237 = arith.mulf %parallel_loop3A_236, %parallel_loop3A_183 : vector<16xf32>
          %parallel_loop3A_238 = arith.mulf %parallel_loop3A_236, %parallel_loop3A_190 : vector<16xf32>
          %parallel_loop3A_239 = arith.mulf %parallel_loop3A_236, %parallel_loop3A_197 : vector<16xf32>
          %parallel_loop3A_240 = arith.index_cast %parallel_loop3A_175 : i32 to index
          %parallel_loop3A_241 = tpu.vector_load %arg44[%parallel_loop3A_240] {strides = array<i32>} : memref<2560xf32, #tpu.memory_space<vmem>>, vector<16xf32>,
          %parallel_loop3A_242 = vector.shape_cast %parallel_loop3A_241 : vector<16xf32> to vector<16xf32>
          %parallel_loop3A_243 = vector.shape_cast %parallel_loop3A_237 : vector<16xf32> to vector<16xf32>
          tpu.vector_store %arg44[%parallel_loop3A_240], %parallel_loop3A_243 {strides = array<i32>} : memref<2560xf32, #tpu.memory_space<vmem>>, vector<16xf32>,
          %parallel_loop3A_244 = arith.index_cast %parallel_loop3A_175 : i32 to index
          %parallel_loop3A_245 = tpu.vector_load %arg45[%parallel_loop3A_244] {strides = array<i32>} : memref<2560xf32, #tpu.memory_space<vmem>>, vector<16xf32>,
          %parallel_loop3A_246 = vector.shape_cast %parallel_loop3A_245 : vector<16xf32> to vector<16xf32>
          %parallel_loop3A_247 = vector.shape_cast %parallel_loop3A_238 : vector<16xf32> to vector<16xf32>
          tpu.vector_store %arg45[%parallel_loop3A_244], %parallel_loop3A_247 {strides = array<i32>} : memref<2560xf32, #tpu.memory_space<vmem>>, vector<16xf32>,
          %parallel_loop3A_248 = arith.index_cast %parallel_loop3A_175 : i32 to index
          %parallel_loop3A_249 = tpu.vector_load %arg46[%parallel_loop3A_248] {strides = array<i32>} : memref<2560xf32, #tpu.memory_space<vmem>>, vector<16xf32>,
          %parallel_loop3A_250 = vector.shape_cast %parallel_loop3A_249 : vector<16xf32> to vector<16xf32>
          %parallel_loop3A_251 = vector.shape_cast %parallel_loop3A_239 : vector<16xf32> to vector<16xf32>
          tpu.vector_store %arg46[%parallel_loop3A_248], %parallel_loop3A_251 {strides = array<i32>} : memref<2560xf32, #tpu.memory_space<vmem>>, vector<16xf32>,
          %parallel_loop3A_252 = arith.constant 0.000000e+00 : f32
          %parallel_loop3A_253 = vector.broadcast %parallel_loop3A_252 : f32 to vector<16xf32>
          %parallel_loop3A_254 = arith.subf %parallel_loop3A_253, %parallel_loop3A_237 : vector<16xf32>
          %parallel_loop3A_255 = arith.index_cast %parallel_loop3A_175 : i32 to index
          %parallel_loop3A_256 = tpu.vector_load %arg41[%parallel_loop3A_255] {strides = array<i32>} : memref<2560xf32, #tpu.memory_space<vmem>>, vector<16xf32>,
          %parallel_loop3A_257 = vector.shape_cast %parallel_loop3A_256 : vector<16xf32> to vector<16xf32>
          %parallel_loop3A_258 = vector.shape_cast %parallel_loop3A_254 : vector<16xf32> to vector<16xf32>
          tpu.vector_store %arg41[%parallel_loop3A_255], %parallel_loop3A_258 {strides = array<i32>} : memref<2560xf32, #tpu.memory_space<vmem>>, vector<16xf32>,
          %parallel_loop3A_259 = arith.constant 0.000000e+00 : f32
          %parallel_loop3A_260 = vector.broadcast %parallel_loop3A_259 : f32 to vector<16xf32>
          %parallel_loop3A_261 = arith.subf %parallel_loop3A_260, %parallel_loop3A_238 : vector<16xf32>
          %parallel_loop3A_262 = arith.index_cast %parallel_loop3A_175 : i32 to index
          %parallel_loop3A_263 = tpu.vector_load %arg42[%parallel_loop3A_262] {strides = array<i32>} : memref<2560xf32, #tpu.memory_space<vmem>>, vector<16xf32>,
          %parallel_loop3A_264 = vector.shape_cast %parallel_loop3A_263 : vector<16xf32> to vector<16xf32>
          %parallel_loop3A_265 = vector.shape_cast %parallel_loop3A_261 : vector<16xf32> to vector<16xf32>
          tpu.vector_store %arg42[%parallel_loop3A_262], %parallel_loop3A_265 {strides = array<i32>} : memref<2560xf32, #tpu.memory_space<vmem>>, vector<16xf32>,
          %parallel_loop3A_266 = arith.constant 0.000000e+00 : f32
          %parallel_loop3A_267 = vector.broadcast %parallel_loop3A_266 : f32 to vector<16xf32>
          %parallel_loop3A_268 = arith.subf %parallel_loop3A_267, %parallel_loop3A_239 : vector<16xf32>
          %parallel_loop3A_269 = arith.index_cast %parallel_loop3A_175 : i32 to index
          %parallel_loop3A_270 = tpu.vector_load %arg43[%parallel_loop3A_269] {strides = array<i32>} : memref<2560xf32, #tpu.memory_space<vmem>>, vector<16xf32>,
          %parallel_loop3A_271 = vector.shape_cast %parallel_loop3A_270 : vector<16xf32> to vector<16xf32>
          %parallel_loop3A_272 = vector.shape_cast %parallel_loop3A_268 : vector<16xf32> to vector<16xf32>
          tpu.vector_store %arg43[%parallel_loop3A_269], %parallel_loop3A_272 {strides = array<i32>} : memref<2560xf32, #tpu.memory_space<vmem>>, vector<16xf32>,
          %parallel_loop3A_273 = arith.addf %parallel_loop3A_176, %parallel_loop3A_225 : vector<16xf32>
          scf.yield %parallel_loop3A_273 : vector<16xf32>
        } {sc.loop_unroll_factor = 4 : i64, sc.parallel_access}
        %get3A = arith.constant 0 : index
        %get3A_156 = tpu.vector_load %arg59[%get3A] {strides = array<i32>} : memref<16xf32, #tpu.memory_space<vmem>>, vector<16xf32>,
        %get3A_157 = vector.shape_cast %get3A_156 : vector<16xf32> to vector<16xf32>
        %add3A_158 = arith.addf %get3A_157, %parallel_loop3A_155 : vector<16xf32>
        %swap3A_159 = arith.constant 0 : index
        %swap3A_160 = tpu.vector_load %arg59[%swap3A_159] {strides = array<i32>} : memref<16xf32, #tpu.memory_space<vmem>>, vector<16xf32>,
        %swap3A_161 = vector.shape_cast %swap3A_160 : vector<16xf32> to vector<16xf32>
        %swap3A_162 = vector.shape_cast %add3A_158 : vector<16xf32> to vector<16xf32>
        tpu.vector_store %arg59[%swap3A_159], %swap3A_162 {strides = array<i32>} : memref<16xf32, #tpu.memory_space<vmem>>, vector<16xf32>,
        %dma_start3A_163 = arith.constant 0 : i32
        %dma_start3A_164 = tpu.memref_slice %arg14[%dma_start3A_163] : memref<50048xf32, #tpu.memory_space<vmem_shared>> -> memref<50048xf32, #tpu.memory_space<vmem_shared>>
        tpu.enqueue_indirect_dma source(%arg41 : memref<2560xf32, #tpu.memory_space<vmem>>) target(%dma_start3A_164 : memref<50048xf32, #tpu.memory_space<vmem_shared>>) offsets(%arg17 : memref<2560xi32, #tpu.memory_space<vmem>>) semaphore(%arg64 : memref<!tpu.dma_semaphore, #tpu.memory_space<semaphore_mem>>) {add = true}
        %dma_start3A_165 = arith.constant 0 : i32
        %dma_start3A_166 = tpu.memref_slice %arg15[%dma_start3A_165] : memref<50048xf32, #tpu.memory_space<vmem_shared>> -> memref<50048xf32, #tpu.memory_space<vmem_shared>>
        tpu.enqueue_indirect_dma source(%arg42 : memref<2560xf32, #tpu.memory_space<vmem>>) target(%dma_start3A_166 : memref<50048xf32, #tpu.memory_space<vmem_shared>>) offsets(%arg17 : memref<2560xi32, #tpu.memory_space<vmem>>) semaphore(%arg64 : memref<!tpu.dma_semaphore, #tpu.memory_space<semaphore_mem>>) {add = true}
        %dma_start3A_167 = arith.constant 0 : i32
        %dma_start3A_168 = tpu.memref_slice %arg16[%dma_start3A_167] : memref<50048xf32, #tpu.memory_space<vmem_shared>> -> memref<50048xf32, #tpu.memory_space<vmem_shared>>
        tpu.enqueue_indirect_dma source(%arg43 : memref<2560xf32, #tpu.memory_space<vmem>>) target(%dma_start3A_168 : memref<50048xf32, #tpu.memory_space<vmem_shared>>) offsets(%arg17 : memref<2560xi32, #tpu.memory_space<vmem>>) semaphore(%arg64 : memref<!tpu.dma_semaphore, #tpu.memory_space<semaphore_mem>>) {add = true}
        %dma_start3A_169 = arith.constant 0 : i32
        %dma_start3A_170 = tpu.memref_slice %arg14[%dma_start3A_169] : memref<50048xf32, #tpu.memory_space<vmem_shared>> -> memref<50048xf32, #tpu.memory_space<vmem_shared>>
        tpu.enqueue_indirect_dma source(%arg44 : memref<2560xf32, #tpu.memory_space<vmem>>) target(%dma_start3A_170 : memref<50048xf32, #tpu.memory_space<vmem_shared>>) offsets(%arg18 : memref<2560xi32, #tpu.memory_space<vmem>>) semaphore(%arg64 : memref<!tpu.dma_semaphore, #tpu.memory_space<semaphore_mem>>) {add = true}
        %dma_start3A_171 = arith.constant 0 : i32
        %dma_start3A_172 = tpu.memref_slice %arg15[%dma_start3A_171] : memref<50048xf32, #tpu.memory_space<vmem_shared>> -> memref<50048xf32, #tpu.memory_space<vmem_shared>>
        tpu.enqueue_indirect_dma source(%arg45 : memref<2560xf32, #tpu.memory_space<vmem>>) target(%dma_start3A_172 : memref<50048xf32, #tpu.memory_space<vmem_shared>>) offsets(%arg18 : memref<2560xi32, #tpu.memory_space<vmem>>) semaphore(%arg64 : memref<!tpu.dma_semaphore, #tpu.memory_space<semaphore_mem>>) {add = true}
        %dma_start3A_173 = arith.constant 0 : i32
        %dma_start3A_174 = tpu.memref_slice %arg16[%dma_start3A_173] : memref<50048xf32, #tpu.memory_space<vmem_shared>> -> memref<50048xf32, #tpu.memory_space<vmem_shared>>
        tpu.enqueue_indirect_dma source(%arg46 : memref<2560xf32, #tpu.memory_space<vmem>>) target(%dma_start3A_174 : memref<50048xf32, #tpu.memory_space<vmem_shared>>) offsets(%arg18 : memref<2560xi32, #tpu.memory_space<vmem>>) semaphore(%arg64 : memref<!tpu.dma_semaphore, #tpu.memory_space<semaphore_mem>>) {add = true}
      } else {
      }
      %add3A_99 = arith.constant 1 : i32
      %add3A_100 = arith.addi %add3A_79, %add3A_99 : i32
      %add3A_101 = arith.constant 1 : i32
      %add3A_102 = arith.addi %add3A_100, %add3A_101 : i32
      %mul3A_103 = arith.constant 32 : i32
      %mul3A_104 = arith.muli %add3A_102, %mul3A_103 : i32
      %add3A_105 = arith.addi %mul3A_104, %add3A : i32
      %le3A_106 = arith.constant 1249 : i32
      %le3A_107 = arith.cmpi sle, %add3A_105, %le3A_106 : i32
      %convert_element_type3A_108 = arith.extui %le3A_107 : i1 to i32
      %cond3A_109 = arith.constant 0 : i32
      %cond3A_110 = arith.cmpi ne, %convert_element_type3A_108, %cond3A_109 : i32
      scf.if %cond3A_110 {
        %ge3A = arith.constant 2 : i32
        %ge3A_139 = arith.cmpi sge, %add3A_100, %ge3A : i32
        %convert_element_type3A_140 = arith.extui %ge3A_139 : i1 to i32
        %cond3A_141 = arith.constant 0 : i32
        %cond3A_142 = arith.cmpi ne, %convert_element_type3A_140, %cond3A_141 : i32
        scf.if %cond3A_142 {
          %dma_wait3A_165 = arith.constant 0 : i32
          %dma_wait3A_166 = tpu.memref_slice %arg14[%dma_wait3A_165] : memref<50048xf32, #tpu.memory_space<vmem_shared>> -> memref<50048xf32, #tpu.memory_space<vmem_shared>>
          tpu.wait_indirect_dma semaphore(%arg66 : memref<!tpu.dma_semaphore, #tpu.memory_space<semaphore_mem>>) src(%arg53 : memref<2560xf32, #tpu.memory_space<vmem>>) dst(%dma_wait3A_166 : memref<50048xf32, #tpu.memory_space<vmem_shared>>)
          %dma_wait3A_167 = arith.constant 0 : i32
          %dma_wait3A_168 = tpu.memref_slice %arg15[%dma_wait3A_167] : memref<50048xf32, #tpu.memory_space<vmem_shared>> -> memref<50048xf32, #tpu.memory_space<vmem_shared>>
          tpu.wait_indirect_dma semaphore(%arg66 : memref<!tpu.dma_semaphore, #tpu.memory_space<semaphore_mem>>) src(%arg54 : memref<2560xf32, #tpu.memory_space<vmem>>) dst(%dma_wait3A_168 : memref<50048xf32, #tpu.memory_space<vmem_shared>>)
          %dma_wait3A_169 = arith.constant 0 : i32
          %dma_wait3A_170 = tpu.memref_slice %arg16[%dma_wait3A_169] : memref<50048xf32, #tpu.memory_space<vmem_shared>> -> memref<50048xf32, #tpu.memory_space<vmem_shared>>
          tpu.wait_indirect_dma semaphore(%arg66 : memref<!tpu.dma_semaphore, #tpu.memory_space<semaphore_mem>>) src(%arg55 : memref<2560xf32, #tpu.memory_space<vmem>>) dst(%dma_wait3A_170 : memref<50048xf32, #tpu.memory_space<vmem_shared>>)
          %dma_wait3A_171 = arith.constant 0 : i32
          %dma_wait3A_172 = tpu.memref_slice %arg14[%dma_wait3A_171] : memref<50048xf32, #tpu.memory_space<vmem_shared>> -> memref<50048xf32, #tpu.memory_space<vmem_shared>>
          tpu.wait_indirect_dma semaphore(%arg66 : memref<!tpu.dma_semaphore, #tpu.memory_space<semaphore_mem>>) src(%arg56 : memref<2560xf32, #tpu.memory_space<vmem>>) dst(%dma_wait3A_172 : memref<50048xf32, #tpu.memory_space<vmem_shared>>)
          %dma_wait3A_173 = arith.constant 0 : i32
          %dma_wait3A_174 = tpu.memref_slice %arg15[%dma_wait3A_173] : memref<50048xf32, #tpu.memory_space<vmem_shared>> -> memref<50048xf32, #tpu.memory_space<vmem_shared>>
          tpu.wait_indirect_dma semaphore(%arg66 : memref<!tpu.dma_semaphore, #tpu.memory_space<semaphore_mem>>) src(%arg57 : memref<2560xf32, #tpu.memory_space<vmem>>) dst(%dma_wait3A_174 : memref<50048xf32, #tpu.memory_space<vmem_shared>>)
          %dma_wait3A_175 = arith.constant 0 : i32
          %dma_wait3A_176 = tpu.memref_slice %arg16[%dma_wait3A_175] : memref<50048xf32, #tpu.memory_space<vmem_shared>> -> memref<50048xf32, #tpu.memory_space<vmem_shared>>
          tpu.wait_indirect_dma semaphore(%arg66 : memref<!tpu.dma_semaphore, #tpu.memory_space<semaphore_mem>>) src(%arg58 : memref<2560xf32, #tpu.memory_space<vmem>>) dst(%dma_wait3A_176 : memref<50048xf32, #tpu.memory_space<vmem_shared>>)
        } else {
        }
        %add3A_143 = arith.constant 1 : i32
        %add3A_144 = arith.addi %add3A_100, %add3A_143 : i32
        %mul3A_145 = arith.constant 32 : i32
        %mul3A_146 = arith.muli %add3A_144, %mul3A_145 : i32
        %add3A_147 = arith.addi %mul3A_146, %add3A : i32
        %lt3A_148 = arith.constant 1250 : i32
        %lt3A_149 = arith.cmpi slt, %add3A_147, %lt3A_148 : i32
        %convert_element_type3A_150 = arith.extui %lt3A_149 : i1 to i32
        %cond3A_151 = arith.constant 0 : i32
        %cond3A_152 = arith.cmpi ne, %convert_element_type3A_150, %cond3A_151 : i32
        scf.if %cond3A_152 {
          %mul3A_165 = arith.constant 2560 : i32
          %mul3A_166 = arith.muli %add3A_147, %mul3A_165 : i32
          %dma_start3A_167 = tpu.memref_slice %arg6[%mul3A_166] : memref<6400000xi32, #tpu.memory_space<hbm>> -> memref<2560xi32, #tpu.memory_space<hbm>>
          %dma_start3A_168 = tpu.memref_slice %arg6[%mul3A_166] : memref<6400000xi32, #tpu.memory_space<hbm>> -> memref<2560xi32, #tpu.memory_space<hbm>>
          tpu.enqueue_dma source(%dma_start3A_168 : memref<2560xi32, #tpu.memory_space<hbm>>) target(%arg21 : memref<2560xi32, #tpu.memory_space<vmem>>) target_semaphore(%arg67 : memref<!tpu.dma_semaphore, #tpu.memory_space<semaphore_mem>>)
          %add3A_169 = arith.constant 3200000 : i32
          %add3A_170 = arith.addi %add3A_169, %mul3A_166 : i32
          %dma_start3A_171 = tpu.memref_slice %arg6[%add3A_170] : memref<6400000xi32, #tpu.memory_space<hbm>> -> memref<2560xi32, #tpu.memory_space<hbm>>
          %dma_start3A_172 = tpu.memref_slice %arg6[%add3A_170] : memref<6400000xi32, #tpu.memory_space<hbm>> -> memref<2560xi32, #tpu.memory_space<hbm>>
          tpu.enqueue_dma source(%dma_start3A_172 : memref<2560xi32, #tpu.memory_space<hbm>>) target(%arg22 : memref<2560xi32, #tpu.memory_space<vmem>>) target_semaphore(%arg67 : memref<!tpu.dma_semaphore, #tpu.memory_space<semaphore_mem>>)
        } else {
        }
        tpu.wait_dma2 semaphore(%arg67 : memref<!tpu.dma_semaphore, #tpu.memory_space<semaphore_mem>>) src(%arg7 : memref<2560xi32, #tpu.memory_space<hbm>>) dst(%arg21 : memref<2560xi32, #tpu.memory_space<vmem>>)
        tpu.wait_dma2 semaphore(%arg67 : memref<!tpu.dma_semaphore, #tpu.memory_space<semaphore_mem>>) src(%arg8 : memref<2560xi32, #tpu.memory_space<hbm>>) dst(%arg22 : memref<2560xi32, #tpu.memory_space<vmem>>)
        %dma_start3A_153 = arith.constant 0 : i32
        %dma_start3A_154 = tpu.memref_slice %arg11[%dma_start3A_153] : memref<50048xf32, #tpu.memory_space<vmem_shared>> -> memref<50048xf32, #tpu.memory_space<vmem_shared>>
        tpu.enqueue_indirect_dma source(%dma_start3A_154 : memref<50048xf32, #tpu.memory_space<vmem_shared>>) target(%arg35 : memref<2560xf32, #tpu.memory_space<vmem>>) offsets(%arg21 : memref<2560xi32, #tpu.memory_space<vmem>>) semaphore(%arg63 : memref<!tpu.dma_semaphore, #tpu.memory_space<semaphore_mem>>)
        %dma_start3A_155 = arith.constant 0 : i32
        %dma_start3A_156 = tpu.memref_slice %arg12[%dma_start3A_155] : memref<50048xf32, #tpu.memory_space<vmem_shared>> -> memref<50048xf32, #tpu.memory_space<vmem_shared>>
        tpu.enqueue_indirect_dma source(%dma_start3A_156 : memref<50048xf32, #tpu.memory_space<vmem_shared>>) target(%arg36 : memref<2560xf32, #tpu.memory_space<vmem>>) offsets(%arg21 : memref<2560xi32, #tpu.memory_space<vmem>>) semaphore(%arg63 : memref<!tpu.dma_semaphore, #tpu.memory_space<semaphore_mem>>)
        %dma_start3A_157 = arith.constant 0 : i32
        %dma_start3A_158 = tpu.memref_slice %arg13[%dma_start3A_157] : memref<50048xf32, #tpu.memory_space<vmem_shared>> -> memref<50048xf32, #tpu.memory_space<vmem_shared>>
        tpu.enqueue_indirect_dma source(%dma_start3A_158 : memref<50048xf32, #tpu.memory_space<vmem_shared>>) target(%arg37 : memref<2560xf32, #tpu.memory_space<vmem>>) offsets(%arg21 : memref<2560xi32, #tpu.memory_space<vmem>>) semaphore(%arg63 : memref<!tpu.dma_semaphore, #tpu.memory_space<semaphore_mem>>)
        %dma_start3A_159 = arith.constant 0 : i32
        %dma_start3A_160 = tpu.memref_slice %arg11[%dma_start3A_159] : memref<50048xf32, #tpu.memory_space<vmem_shared>> -> memref<50048xf32, #tpu.memory_space<vmem_shared>>
        tpu.enqueue_indirect_dma source(%dma_start3A_160 : memref<50048xf32, #tpu.memory_space<vmem_shared>>) target(%arg38 : memref<2560xf32, #tpu.memory_space<vmem>>) offsets(%arg22 : memref<2560xi32, #tpu.memory_space<vmem>>) semaphore(%arg63 : memref<!tpu.dma_semaphore, #tpu.memory_space<semaphore_mem>>)
        %dma_start3A_161 = arith.constant 0 : i32
        %dma_start3A_162 = tpu.memref_slice %arg12[%dma_start3A_161] : memref<50048xf32, #tpu.memory_space<vmem_shared>> -> memref<50048xf32, #tpu.memory_space<vmem_shared>>
        tpu.enqueue_indirect_dma source(%dma_start3A_162 : memref<50048xf32, #tpu.memory_space<vmem_shared>>) target(%arg39 : memref<2560xf32, #tpu.memory_space<vmem>>) offsets(%arg22 : memref<2560xi32, #tpu.memory_space<vmem>>) semaphore(%arg63 : memref<!tpu.dma_semaphore, #tpu.memory_space<semaphore_mem>>)
        %dma_start3A_163 = arith.constant 0 : i32
        %dma_start3A_164 = tpu.memref_slice %arg13[%dma_start3A_163] : memref<50048xf32, #tpu.memory_space<vmem_shared>> -> memref<50048xf32, #tpu.memory_space<vmem_shared>>
        tpu.enqueue_indirect_dma source(%dma_start3A_164 : memref<50048xf32, #tpu.memory_space<vmem_shared>>) target(%arg40 : memref<2560xf32, #tpu.memory_space<vmem>>) offsets(%arg22 : memref<2560xi32, #tpu.memory_space<vmem>>) semaphore(%arg63 : memref<!tpu.dma_semaphore, #tpu.memory_space<semaphore_mem>>)
      } else {
      }
      %mul3A_111 = arith.constant 32 : i32
      %mul3A_112 = arith.muli %add3A_100, %mul3A_111 : i32
      %add3A_113 = arith.addi %mul3A_112, %add3A : i32
      %le3A_114 = arith.constant 1249 : i32
      %le3A_115 = arith.cmpi sle, %add3A_113, %le3A_114 : i32
      %convert_element_type3A_116 = arith.extui %le3A_115 : i1 to i32
      %cond3A_117 = arith.constant 0 : i32
      %cond3A_118 = arith.cmpi ne, %convert_element_type3A_116, %cond3A_117 : i32
      scf.if %cond3A_118 {
        %dma_wait3A_139 = arith.constant 0 : i32
        %dma_wait3A_140 = tpu.memref_slice %arg11[%dma_wait3A_139] : memref<50048xf32, #tpu.memory_space<vmem_shared>> -> memref<50048xf32, #tpu.memory_space<vmem_shared>>
        tpu.wait_indirect_dma semaphore(%arg62 : memref<!tpu.dma_semaphore, #tpu.memory_space<semaphore_mem>>) src(%dma_wait3A_140 : memref<50048xf32, #tpu.memory_space<vmem_shared>>) dst(%arg29 : memref<2560xf32, #tpu.memory_space<vmem>>)
        %dma_wait3A_141 = arith.constant 0 : i32
        %dma_wait3A_142 = tpu.memref_slice %arg11[%dma_wait3A_141] : memref<50048xf32, #tpu.memory_space<vmem_shared>> -> memref<50048xf32, #tpu.memory_space<vmem_shared>>
        tpu.wait_indirect_dma semaphore(%arg62 : memref<!tpu.dma_semaphore, #tpu.memory_space<semaphore_mem>>) src(%dma_wait3A_142 : memref<50048xf32, #tpu.memory_space<vmem_shared>>) dst(%arg30 : memref<2560xf32, #tpu.memory_space<vmem>>)
        %dma_wait3A_143 = arith.constant 0 : i32
        %dma_wait3A_144 = tpu.memref_slice %arg11[%dma_wait3A_143] : memref<50048xf32, #tpu.memory_space<vmem_shared>> -> memref<50048xf32, #tpu.memory_space<vmem_shared>>
        tpu.wait_indirect_dma semaphore(%arg62 : memref<!tpu.dma_semaphore, #tpu.memory_space<semaphore_mem>>) src(%dma_wait3A_144 : memref<50048xf32, #tpu.memory_space<vmem_shared>>) dst(%arg31 : memref<2560xf32, #tpu.memory_space<vmem>>)
        %dma_wait3A_145 = arith.constant 0 : i32
        %dma_wait3A_146 = tpu.memref_slice %arg11[%dma_wait3A_145] : memref<50048xf32, #tpu.memory_space<vmem_shared>> -> memref<50048xf32, #tpu.memory_space<vmem_shared>>
        tpu.wait_indirect_dma semaphore(%arg62 : memref<!tpu.dma_semaphore, #tpu.memory_space<semaphore_mem>>) src(%dma_wait3A_146 : memref<50048xf32, #tpu.memory_space<vmem_shared>>) dst(%arg32 : memref<2560xf32, #tpu.memory_space<vmem>>)
        %dma_wait3A_147 = arith.constant 0 : i32
        %dma_wait3A_148 = tpu.memref_slice %arg11[%dma_wait3A_147] : memref<50048xf32, #tpu.memory_space<vmem_shared>> -> memref<50048xf32, #tpu.memory_space<vmem_shared>>
        tpu.wait_indirect_dma semaphore(%arg62 : memref<!tpu.dma_semaphore, #tpu.memory_space<semaphore_mem>>) src(%dma_wait3A_148 : memref<50048xf32, #tpu.memory_space<vmem_shared>>) dst(%arg33 : memref<2560xf32, #tpu.memory_space<vmem>>)
        %dma_wait3A_149 = arith.constant 0 : i32
        %dma_wait3A_150 = tpu.memref_slice %arg11[%dma_wait3A_149] : memref<50048xf32, #tpu.memory_space<vmem_shared>> -> memref<50048xf32, #tpu.memory_space<vmem_shared>>
        tpu.wait_indirect_dma semaphore(%arg62 : memref<!tpu.dma_semaphore, #tpu.memory_space<semaphore_mem>>) src(%dma_wait3A_150 : memref<50048xf32, #tpu.memory_space<vmem_shared>>) dst(%arg34 : memref<2560xf32, #tpu.memory_space<vmem>>)
        %broadcast_in_dim3A_151 = arith.constant 0.000000e+00 : f32
        %broadcast_in_dim3A_152 = vector.broadcast %broadcast_in_dim3A_151 : f32 to vector<16xf32>
        %parallel_loop3A = arith.constant 0 : i32
        %parallel_loop3A_153 = arith.constant 2560 : i32
        %parallel_loop3A_154 = arith.constant 16 : i32
        %parallel_loop3A_155 = scf.for %parallel_loop3A_175 = %parallel_loop3A to %parallel_loop3A_153 step %parallel_loop3A_154 iter_args(%parallel_loop3A_176 = %broadcast_in_dim3A_152) -> (vector<16xf32>)  : i32 {
          %parallel_loop3A_177 = arith.index_cast %parallel_loop3A_175 : i32 to index
          %parallel_loop3A_178 = tpu.vector_load %arg32[%parallel_loop3A_177] {strides = array<i32>} : memref<2560xf32, #tpu.memory_space<vmem>>, vector<16xf32>,
          %parallel_loop3A_179 = vector.shape_cast %parallel_loop3A_178 : vector<16xf32> to vector<16xf32>
          %parallel_loop3A_180 = arith.index_cast %parallel_loop3A_175 : i32 to index
          %parallel_loop3A_181 = tpu.vector_load %arg29[%parallel_loop3A_180] {strides = array<i32>} : memref<2560xf32, #tpu.memory_space<vmem>>, vector<16xf32>,
          %parallel_loop3A_182 = vector.shape_cast %parallel_loop3A_181 : vector<16xf32> to vector<16xf32>
          %parallel_loop3A_183 = arith.subf %parallel_loop3A_179, %parallel_loop3A_182 : vector<16xf32>
          %parallel_loop3A_184 = arith.index_cast %parallel_loop3A_175 : i32 to index
          %parallel_loop3A_185 = tpu.vector_load %arg33[%parallel_loop3A_184] {strides = array<i32>} : memref<2560xf32, #tpu.memory_space<vmem>>, vector<16xf32>,
          %parallel_loop3A_186 = vector.shape_cast %parallel_loop3A_185 : vector<16xf32> to vector<16xf32>
          %parallel_loop3A_187 = arith.index_cast %parallel_loop3A_175 : i32 to index
          %parallel_loop3A_188 = tpu.vector_load %arg30[%parallel_loop3A_187] {strides = array<i32>} : memref<2560xf32, #tpu.memory_space<vmem>>, vector<16xf32>,
          %parallel_loop3A_189 = vector.shape_cast %parallel_loop3A_188 : vector<16xf32> to vector<16xf32>
          %parallel_loop3A_190 = arith.subf %parallel_loop3A_186, %parallel_loop3A_189 : vector<16xf32>
          %parallel_loop3A_191 = arith.index_cast %parallel_loop3A_175 : i32 to index
          %parallel_loop3A_192 = tpu.vector_load %arg34[%parallel_loop3A_191] {strides = array<i32>} : memref<2560xf32, #tpu.memory_space<vmem>>, vector<16xf32>,
          %parallel_loop3A_193 = vector.shape_cast %parallel_loop3A_192 : vector<16xf32> to vector<16xf32>
          %parallel_loop3A_194 = arith.index_cast %parallel_loop3A_175 : i32 to index
          %parallel_loop3A_195 = tpu.vector_load %arg31[%parallel_loop3A_194] {strides = array<i32>} : memref<2560xf32, #tpu.memory_space<vmem>>, vector<16xf32>,
          %parallel_loop3A_196 = vector.shape_cast %parallel_loop3A_195 : vector<16xf32> to vector<16xf32>
          %parallel_loop3A_197 = arith.subf %parallel_loop3A_193, %parallel_loop3A_196 : vector<16xf32>
          %parallel_loop3A_198 = arith.mulf %parallel_loop3A_183, %parallel_loop3A_183 : vector<16xf32>
          %parallel_loop3A_199 = arith.mulf %parallel_loop3A_190, %parallel_loop3A_190 : vector<16xf32>
          %parallel_loop3A_200 = arith.addf %parallel_loop3A_198, %parallel_loop3A_199 : vector<16xf32>
          %parallel_loop3A_201 = arith.mulf %parallel_loop3A_197, %parallel_loop3A_197 : vector<16xf32>
          %parallel_loop3A_202 = arith.addf %parallel_loop3A_200, %parallel_loop3A_201 : vector<16xf32>
          %parallel_loop3A_203 = arith.constant 0.000000e+00 : f32
          %parallel_loop3A_204 = vector.broadcast %parallel_loop3A_203 : f32 to vector<16xf32>
          %parallel_loop3A_205 = arith.cmpf ogt, %parallel_loop3A_202, %parallel_loop3A_204 : vector<16xf32>
          %parallel_loop3A_206 = arith.constant 6.250000e+00 : f32
          %parallel_loop3A_207 = vector.broadcast %parallel_loop3A_206 : f32 to vector<16xf32>
          %parallel_loop3A_208 = arith.cmpf olt, %parallel_loop3A_202, %parallel_loop3A_207 : vector<16xf32>
          %parallel_loop3A_209 = arith.andi %parallel_loop3A_205, %parallel_loop3A_208 : vector<16xi1>
          %parallel_loop3A_210 = arith.constant 1.000000e+00 : f32
          %parallel_loop3A_211 = vector.broadcast %parallel_loop3A_210 : f32 to vector<16xf32>
          %parallel_loop3A_212 = arith.select %parallel_loop3A_209, %parallel_loop3A_202, %parallel_loop3A_211 : vector<16xi1>, vector<16xf32>
          %parallel_loop3A_213 = arith.constant 1.000000e+00 : f32
          %parallel_loop3A_214 = vector.broadcast %parallel_loop3A_213 : f32 to vector<16xf32>
          %parallel_loop3A_215 = arith.divf %parallel_loop3A_214, %parallel_loop3A_212 : vector<16xf32>
          %parallel_loop3A_216 = arith.mulf %parallel_loop3A_215, %parallel_loop3A_215 : vector<16xf32>
          %parallel_loop3A_217 = arith.mulf %parallel_loop3A_216, %parallel_loop3A_215 : vector<16xf32>
          %parallel_loop3A_218 = arith.mulf %parallel_loop3A_217, %parallel_loop3A_217 : vector<16xf32>
          %parallel_loop3A_219 = arith.subf %parallel_loop3A_218, %parallel_loop3A_217 : vector<16xf32>
          %parallel_loop3A_220 = arith.constant 4.000000e+00 : f32
          %parallel_loop3A_221 = vector.broadcast %parallel_loop3A_220 : f32 to vector<16xf32>
          %parallel_loop3A_222 = arith.mulf %parallel_loop3A_221, %parallel_loop3A_219 : vector<16xf32>
          %parallel_loop3A_223 = arith.constant 0.000000e+00 : f32
          %parallel_loop3A_224 = vector.broadcast %parallel_loop3A_223 : f32 to vector<16xf32>
          %parallel_loop3A_225 = arith.select %parallel_loop3A_209, %parallel_loop3A_222, %parallel_loop3A_224 : vector<16xi1>, vector<16xf32>
          %parallel_loop3A_226 = arith.constant 2.400000e+01 : f32
          %parallel_loop3A_227 = vector.broadcast %parallel_loop3A_226 : f32 to vector<16xf32>
          %parallel_loop3A_228 = arith.mulf %parallel_loop3A_227, %parallel_loop3A_215 : vector<16xf32>
          %parallel_loop3A_229 = arith.constant 2.000000e+00 : f32
          %parallel_loop3A_230 = vector.broadcast %parallel_loop3A_229 : f32 to vector<16xf32>
          %parallel_loop3A_231 = arith.mulf %parallel_loop3A_230, %parallel_loop3A_218 : vector<16xf32>
          %parallel_loop3A_232 = arith.subf %parallel_loop3A_231, %parallel_loop3A_217 : vector<16xf32>
          %parallel_loop3A_233 = arith.mulf %parallel_loop3A_228, %parallel_loop3A_232 : vector<16xf32>
          %parallel_loop3A_234 = arith.constant 0.000000e+00 : f32
          %parallel_loop3A_235 = vector.broadcast %parallel_loop3A_234 : f32 to vector<16xf32>
          %parallel_loop3A_236 = arith.select %parallel_loop3A_209, %parallel_loop3A_233, %parallel_loop3A_235 : vector<16xi1>, vector<16xf32>
          %parallel_loop3A_237 = arith.mulf %parallel_loop3A_236, %parallel_loop3A_183 : vector<16xf32>
          %parallel_loop3A_238 = arith.mulf %parallel_loop3A_236, %parallel_loop3A_190 : vector<16xf32>
          %parallel_loop3A_239 = arith.mulf %parallel_loop3A_236, %parallel_loop3A_197 : vector<16xf32>
          %parallel_loop3A_240 = arith.index_cast %parallel_loop3A_175 : i32 to index
          %parallel_loop3A_241 = tpu.vector_load %arg50[%parallel_loop3A_240] {strides = array<i32>} : memref<2560xf32, #tpu.memory_space<vmem>>, vector<16xf32>,
          %parallel_loop3A_242 = vector.shape_cast %parallel_loop3A_241 : vector<16xf32> to vector<16xf32>
          %parallel_loop3A_243 = vector.shape_cast %parallel_loop3A_237 : vector<16xf32> to vector<16xf32>
          tpu.vector_store %arg50[%parallel_loop3A_240], %parallel_loop3A_243 {strides = array<i32>} : memref<2560xf32, #tpu.memory_space<vmem>>, vector<16xf32>,
          %parallel_loop3A_244 = arith.index_cast %parallel_loop3A_175 : i32 to index
          %parallel_loop3A_245 = tpu.vector_load %arg51[%parallel_loop3A_244] {strides = array<i32>} : memref<2560xf32, #tpu.memory_space<vmem>>, vector<16xf32>,
          %parallel_loop3A_246 = vector.shape_cast %parallel_loop3A_245 : vector<16xf32> to vector<16xf32>
          %parallel_loop3A_247 = vector.shape_cast %parallel_loop3A_238 : vector<16xf32> to vector<16xf32>
          tpu.vector_store %arg51[%parallel_loop3A_244], %parallel_loop3A_247 {strides = array<i32>} : memref<2560xf32, #tpu.memory_space<vmem>>, vector<16xf32>,
          %parallel_loop3A_248 = arith.index_cast %parallel_loop3A_175 : i32 to index
          %parallel_loop3A_249 = tpu.vector_load %arg52[%parallel_loop3A_248] {strides = array<i32>} : memref<2560xf32, #tpu.memory_space<vmem>>, vector<16xf32>,
          %parallel_loop3A_250 = vector.shape_cast %parallel_loop3A_249 : vector<16xf32> to vector<16xf32>
          %parallel_loop3A_251 = vector.shape_cast %parallel_loop3A_239 : vector<16xf32> to vector<16xf32>
          tpu.vector_store %arg52[%parallel_loop3A_248], %parallel_loop3A_251 {strides = array<i32>} : memref<2560xf32, #tpu.memory_space<vmem>>, vector<16xf32>,
          %parallel_loop3A_252 = arith.constant 0.000000e+00 : f32
          %parallel_loop3A_253 = vector.broadcast %parallel_loop3A_252 : f32 to vector<16xf32>
          %parallel_loop3A_254 = arith.subf %parallel_loop3A_253, %parallel_loop3A_237 : vector<16xf32>
          %parallel_loop3A_255 = arith.index_cast %parallel_loop3A_175 : i32 to index
          %parallel_loop3A_256 = tpu.vector_load %arg47[%parallel_loop3A_255] {strides = array<i32>} : memref<2560xf32, #tpu.memory_space<vmem>>, vector<16xf32>,
          %parallel_loop3A_257 = vector.shape_cast %parallel_loop3A_256 : vector<16xf32> to vector<16xf32>
          %parallel_loop3A_258 = vector.shape_cast %parallel_loop3A_254 : vector<16xf32> to vector<16xf32>
          tpu.vector_store %arg47[%parallel_loop3A_255], %parallel_loop3A_258 {strides = array<i32>} : memref<2560xf32, #tpu.memory_space<vmem>>, vector<16xf32>,
          %parallel_loop3A_259 = arith.constant 0.000000e+00 : f32
          %parallel_loop3A_260 = vector.broadcast %parallel_loop3A_259 : f32 to vector<16xf32>
          %parallel_loop3A_261 = arith.subf %parallel_loop3A_260, %parallel_loop3A_238 : vector<16xf32>
          %parallel_loop3A_262 = arith.index_cast %parallel_loop3A_175 : i32 to index
          %parallel_loop3A_263 = tpu.vector_load %arg48[%parallel_loop3A_262] {strides = array<i32>} : memref<2560xf32, #tpu.memory_space<vmem>>, vector<16xf32>,
          %parallel_loop3A_264 = vector.shape_cast %parallel_loop3A_263 : vector<16xf32> to vector<16xf32>
          %parallel_loop3A_265 = vector.shape_cast %parallel_loop3A_261 : vector<16xf32> to vector<16xf32>
          tpu.vector_store %arg48[%parallel_loop3A_262], %parallel_loop3A_265 {strides = array<i32>} : memref<2560xf32, #tpu.memory_space<vmem>>, vector<16xf32>,
          %parallel_loop3A_266 = arith.constant 0.000000e+00 : f32
          %parallel_loop3A_267 = vector.broadcast %parallel_loop3A_266 : f32 to vector<16xf32>
          %parallel_loop3A_268 = arith.subf %parallel_loop3A_267, %parallel_loop3A_239 : vector<16xf32>
          %parallel_loop3A_269 = arith.index_cast %parallel_loop3A_175 : i32 to index
          %parallel_loop3A_270 = tpu.vector_load %arg49[%parallel_loop3A_269] {strides = array<i32>} : memref<2560xf32, #tpu.memory_space<vmem>>, vector<16xf32>,
          %parallel_loop3A_271 = vector.shape_cast %parallel_loop3A_270 : vector<16xf32> to vector<16xf32>
          %parallel_loop3A_272 = vector.shape_cast %parallel_loop3A_268 : vector<16xf32> to vector<16xf32>
          tpu.vector_store %arg49[%parallel_loop3A_269], %parallel_loop3A_272 {strides = array<i32>} : memref<2560xf32, #tpu.memory_space<vmem>>, vector<16xf32>,
          %parallel_loop3A_273 = arith.addf %parallel_loop3A_176, %parallel_loop3A_225 : vector<16xf32>
          scf.yield %parallel_loop3A_273 : vector<16xf32>
        } {sc.loop_unroll_factor = 4 : i64, sc.parallel_access}
        %get3A = arith.constant 0 : index
        %get3A_156 = tpu.vector_load %arg59[%get3A] {strides = array<i32>} : memref<16xf32, #tpu.memory_space<vmem>>, vector<16xf32>,
        %get3A_157 = vector.shape_cast %get3A_156 : vector<16xf32> to vector<16xf32>
        %add3A_158 = arith.addf %get3A_157, %parallel_loop3A_155 : vector<16xf32>
        %swap3A_159 = arith.constant 0 : index
        %swap3A_160 = tpu.vector_load %arg59[%swap3A_159] {strides = array<i32>} : memref<16xf32, #tpu.memory_space<vmem>>, vector<16xf32>,
        %swap3A_161 = vector.shape_cast %swap3A_160 : vector<16xf32> to vector<16xf32>
        %swap3A_162 = vector.shape_cast %add3A_158 : vector<16xf32> to vector<16xf32>
        tpu.vector_store %arg59[%swap3A_159], %swap3A_162 {strides = array<i32>} : memref<16xf32, #tpu.memory_space<vmem>>, vector<16xf32>,
        %dma_start3A_163 = arith.constant 0 : i32
        %dma_start3A_164 = tpu.memref_slice %arg14[%dma_start3A_163] : memref<50048xf32, #tpu.memory_space<vmem_shared>> -> memref<50048xf32, #tpu.memory_space<vmem_shared>>
        tpu.enqueue_indirect_dma source(%arg47 : memref<2560xf32, #tpu.memory_space<vmem>>) target(%dma_start3A_164 : memref<50048xf32, #tpu.memory_space<vmem_shared>>) offsets(%arg19 : memref<2560xi32, #tpu.memory_space<vmem>>) semaphore(%arg65 : memref<!tpu.dma_semaphore, #tpu.memory_space<semaphore_mem>>) {add = true}
        %dma_start3A_165 = arith.constant 0 : i32
        %dma_start3A_166 = tpu.memref_slice %arg15[%dma_start3A_165] : memref<50048xf32, #tpu.memory_space<vmem_shared>> -> memref<50048xf32, #tpu.memory_space<vmem_shared>>
        tpu.enqueue_indirect_dma source(%arg48 : memref<2560xf32, #tpu.memory_space<vmem>>) target(%dma_start3A_166 : memref<50048xf32, #tpu.memory_space<vmem_shared>>) offsets(%arg19 : memref<2560xi32, #tpu.memory_space<vmem>>) semaphore(%arg65 : memref<!tpu.dma_semaphore, #tpu.memory_space<semaphore_mem>>) {add = true}
        %dma_start3A_167 = arith.constant 0 : i32
        %dma_start3A_168 = tpu.memref_slice %arg16[%dma_start3A_167] : memref<50048xf32, #tpu.memory_space<vmem_shared>> -> memref<50048xf32, #tpu.memory_space<vmem_shared>>
        tpu.enqueue_indirect_dma source(%arg49 : memref<2560xf32, #tpu.memory_space<vmem>>) target(%dma_start3A_168 : memref<50048xf32, #tpu.memory_space<vmem_shared>>) offsets(%arg19 : memref<2560xi32, #tpu.memory_space<vmem>>) semaphore(%arg65 : memref<!tpu.dma_semaphore, #tpu.memory_space<semaphore_mem>>) {add = true}
        %dma_start3A_169 = arith.constant 0 : i32
        %dma_start3A_170 = tpu.memref_slice %arg14[%dma_start3A_169] : memref<50048xf32, #tpu.memory_space<vmem_shared>> -> memref<50048xf32, #tpu.memory_space<vmem_shared>>
        tpu.enqueue_indirect_dma source(%arg50 : memref<2560xf32, #tpu.memory_space<vmem>>) target(%dma_start3A_170 : memref<50048xf32, #tpu.memory_space<vmem_shared>>) offsets(%arg20 : memref<2560xi32, #tpu.memory_space<vmem>>) semaphore(%arg65 : memref<!tpu.dma_semaphore, #tpu.memory_space<semaphore_mem>>) {add = true}
        %dma_start3A_171 = arith.constant 0 : i32
        %dma_start3A_172 = tpu.memref_slice %arg15[%dma_start3A_171] : memref<50048xf32, #tpu.memory_space<vmem_shared>> -> memref<50048xf32, #tpu.memory_space<vmem_shared>>
        tpu.enqueue_indirect_dma source(%arg51 : memref<2560xf32, #tpu.memory_space<vmem>>) target(%dma_start3A_172 : memref<50048xf32, #tpu.memory_space<vmem_shared>>) offsets(%arg20 : memref<2560xi32, #tpu.memory_space<vmem>>) semaphore(%arg65 : memref<!tpu.dma_semaphore, #tpu.memory_space<semaphore_mem>>) {add = true}
        %dma_start3A_173 = arith.constant 0 : i32
        %dma_start3A_174 = tpu.memref_slice %arg16[%dma_start3A_173] : memref<50048xf32, #tpu.memory_space<vmem_shared>> -> memref<50048xf32, #tpu.memory_space<vmem_shared>>
        tpu.enqueue_indirect_dma source(%arg52 : memref<2560xf32, #tpu.memory_space<vmem>>) target(%dma_start3A_174 : memref<50048xf32, #tpu.memory_space<vmem_shared>>) offsets(%arg20 : memref<2560xi32, #tpu.memory_space<vmem>>) semaphore(%arg65 : memref<!tpu.dma_semaphore, #tpu.memory_space<semaphore_mem>>) {add = true}
      } else {
      }
      %add3A_119 = arith.constant 2 : i32
      %add3A_120 = arith.addi %add3A_79, %add3A_119 : i32
      %add3A_121 = arith.constant 1 : i32
      %add3A_122 = arith.addi %add3A_120, %add3A_121 : i32
      %mul3A_123 = arith.constant 32 : i32
      %mul3A_124 = arith.muli %add3A_122, %mul3A_123 : i32
      %add3A_125 = arith.addi %mul3A_124, %add3A : i32
      %le3A_126 = arith.constant 1249 : i32
      %le3A_127 = arith.cmpi sle, %add3A_125, %le3A_126 : i32
      %convert_element_type3A_128 = arith.extui %le3A_127 : i1 to i32
      %cond3A_129 = arith.constant 0 : i32
      %cond3A_130 = arith.cmpi ne, %convert_element_type3A_128, %cond3A_129 : i32
      scf.if %cond3A_130 {
        %ge3A = arith.constant 2 : i32
        %ge3A_139 = arith.cmpi sge, %add3A_120, %ge3A : i32
        %convert_element_type3A_140 = arith.extui %ge3A_139 : i1 to i32
        %cond3A_141 = arith.constant 0 : i32
        %cond3A_142 = arith.cmpi ne, %convert_element_type3A_140, %cond3A_141 : i32
        scf.if %cond3A_142 {
          %dma_wait3A_165 = arith.constant 0 : i32
          %dma_wait3A_166 = tpu.memref_slice %arg14[%dma_wait3A_165] : memref<50048xf32, #tpu.memory_space<vmem_shared>> -> memref<50048xf32, #tpu.memory_space<vmem_shared>>
          tpu.wait_indirect_dma semaphore(%arg64 : memref<!tpu.dma_semaphore, #tpu.memory_space<semaphore_mem>>) src(%arg41 : memref<2560xf32, #tpu.memory_space<vmem>>) dst(%dma_wait3A_166 : memref<50048xf32, #tpu.memory_space<vmem_shared>>)
          %dma_wait3A_167 = arith.constant 0 : i32
          %dma_wait3A_168 = tpu.memref_slice %arg15[%dma_wait3A_167] : memref<50048xf32, #tpu.memory_space<vmem_shared>> -> memref<50048xf32, #tpu.memory_space<vmem_shared>>
          tpu.wait_indirect_dma semaphore(%arg64 : memref<!tpu.dma_semaphore, #tpu.memory_space<semaphore_mem>>) src(%arg42 : memref<2560xf32, #tpu.memory_space<vmem>>) dst(%dma_wait3A_168 : memref<50048xf32, #tpu.memory_space<vmem_shared>>)
          %dma_wait3A_169 = arith.constant 0 : i32
          %dma_wait3A_170 = tpu.memref_slice %arg16[%dma_wait3A_169] : memref<50048xf32, #tpu.memory_space<vmem_shared>> -> memref<50048xf32, #tpu.memory_space<vmem_shared>>
          tpu.wait_indirect_dma semaphore(%arg64 : memref<!tpu.dma_semaphore, #tpu.memory_space<semaphore_mem>>) src(%arg43 : memref<2560xf32, #tpu.memory_space<vmem>>) dst(%dma_wait3A_170 : memref<50048xf32, #tpu.memory_space<vmem_shared>>)
          %dma_wait3A_171 = arith.constant 0 : i32
          %dma_wait3A_172 = tpu.memref_slice %arg14[%dma_wait3A_171] : memref<50048xf32, #tpu.memory_space<vmem_shared>> -> memref<50048xf32, #tpu.memory_space<vmem_shared>>
          tpu.wait_indirect_dma semaphore(%arg64 : memref<!tpu.dma_semaphore, #tpu.memory_space<semaphore_mem>>) src(%arg44 : memref<2560xf32, #tpu.memory_space<vmem>>) dst(%dma_wait3A_172 : memref<50048xf32, #tpu.memory_space<vmem_shared>>)
          %dma_wait3A_173 = arith.constant 0 : i32
          %dma_wait3A_174 = tpu.memref_slice %arg15[%dma_wait3A_173] : memref<50048xf32, #tpu.memory_space<vmem_shared>> -> memref<50048xf32, #tpu.memory_space<vmem_shared>>
          tpu.wait_indirect_dma semaphore(%arg64 : memref<!tpu.dma_semaphore, #tpu.memory_space<semaphore_mem>>) src(%arg45 : memref<2560xf32, #tpu.memory_space<vmem>>) dst(%dma_wait3A_174 : memref<50048xf32, #tpu.memory_space<vmem_shared>>)
          %dma_wait3A_175 = arith.constant 0 : i32
          %dma_wait3A_176 = tpu.memref_slice %arg16[%dma_wait3A_175] : memref<50048xf32, #tpu.memory_space<vmem_shared>> -> memref<50048xf32, #tpu.memory_space<vmem_shared>>
          tpu.wait_indirect_dma semaphore(%arg64 : memref<!tpu.dma_semaphore, #tpu.memory_space<semaphore_mem>>) src(%arg46 : memref<2560xf32, #tpu.memory_space<vmem>>) dst(%dma_wait3A_176 : memref<50048xf32, #tpu.memory_space<vmem_shared>>)
        } else {
        }
        %add3A_143 = arith.constant 1 : i32
        %add3A_144 = arith.addi %add3A_120, %add3A_143 : i32
        %mul3A_145 = arith.constant 32 : i32
        %mul3A_146 = arith.muli %add3A_144, %mul3A_145 : i32
        %add3A_147 = arith.addi %mul3A_146, %add3A : i32
        %lt3A_148 = arith.constant 1250 : i32
        %lt3A_149 = arith.cmpi slt, %add3A_147, %lt3A_148 : i32
        %convert_element_type3A_150 = arith.extui %lt3A_149 : i1 to i32
        %cond3A_151 = arith.constant 0 : i32
        %cond3A_152 = arith.cmpi ne, %convert_element_type3A_150, %cond3A_151 : i32
        scf.if %cond3A_152 {
          %mul3A_165 = arith.constant 2560 : i32
          %mul3A_166 = arith.muli %add3A_147, %mul3A_165 : i32
          %dma_start3A_167 = tpu.memref_slice %arg6[%mul3A_166] : memref<6400000xi32, #tpu.memory_space<hbm>> -> memref<2560xi32, #tpu.memory_space<hbm>>
          %dma_start3A_168 = tpu.memref_slice %arg6[%mul3A_166] : memref<6400000xi32, #tpu.memory_space<hbm>> -> memref<2560xi32, #tpu.memory_space<hbm>>
          tpu.enqueue_dma source(%dma_start3A_168 : memref<2560xi32, #tpu.memory_space<hbm>>) target(%arg17 : memref<2560xi32, #tpu.memory_space<vmem>>) target_semaphore(%arg67 : memref<!tpu.dma_semaphore, #tpu.memory_space<semaphore_mem>>)
          %add3A_169 = arith.constant 3200000 : i32
          %add3A_170 = arith.addi %add3A_169, %mul3A_166 : i32
          %dma_start3A_171 = tpu.memref_slice %arg6[%add3A_170] : memref<6400000xi32, #tpu.memory_space<hbm>> -> memref<2560xi32, #tpu.memory_space<hbm>>
          %dma_start3A_172 = tpu.memref_slice %arg6[%add3A_170] : memref<6400000xi32, #tpu.memory_space<hbm>> -> memref<2560xi32, #tpu.memory_space<hbm>>
          tpu.enqueue_dma source(%dma_start3A_172 : memref<2560xi32, #tpu.memory_space<hbm>>) target(%arg18 : memref<2560xi32, #tpu.memory_space<vmem>>) target_semaphore(%arg67 : memref<!tpu.dma_semaphore, #tpu.memory_space<semaphore_mem>>)
        } else {
        }
        tpu.wait_dma2 semaphore(%arg67 : memref<!tpu.dma_semaphore, #tpu.memory_space<semaphore_mem>>) src(%arg7 : memref<2560xi32, #tpu.memory_space<hbm>>) dst(%arg17 : memref<2560xi32, #tpu.memory_space<vmem>>)
        tpu.wait_dma2 semaphore(%arg67 : memref<!tpu.dma_semaphore, #tpu.memory_space<semaphore_mem>>) src(%arg8 : memref<2560xi32, #tpu.memory_space<hbm>>) dst(%arg18 : memref<2560xi32, #tpu.memory_space<vmem>>)
        %dma_start3A_153 = arith.constant 0 : i32
        %dma_start3A_154 = tpu.memref_slice %arg11[%dma_start3A_153] : memref<50048xf32, #tpu.memory_space<vmem_shared>> -> memref<50048xf32, #tpu.memory_space<vmem_shared>>
        tpu.enqueue_indirect_dma source(%dma_start3A_154 : memref<50048xf32, #tpu.memory_space<vmem_shared>>) target(%arg23 : memref<2560xf32, #tpu.memory_space<vmem>>) offsets(%arg17 : memref<2560xi32, #tpu.memory_space<vmem>>) semaphore(%arg61 : memref<!tpu.dma_semaphore, #tpu.memory_space<semaphore_mem>>)
        %dma_start3A_155 = arith.constant 0 : i32
        %dma_start3A_156 = tpu.memref_slice %arg12[%dma_start3A_155] : memref<50048xf32, #tpu.memory_space<vmem_shared>> -> memref<50048xf32, #tpu.memory_space<vmem_shared>>
        tpu.enqueue_indirect_dma source(%dma_start3A_156 : memref<50048xf32, #tpu.memory_space<vmem_shared>>) target(%arg24 : memref<2560xf32, #tpu.memory_space<vmem>>) offsets(%arg17 : memref<2560xi32, #tpu.memory_space<vmem>>) semaphore(%arg61 : memref<!tpu.dma_semaphore, #tpu.memory_space<semaphore_mem>>)
        %dma_start3A_157 = arith.constant 0 : i32
        %dma_start3A_158 = tpu.memref_slice %arg13[%dma_start3A_157] : memref<50048xf32, #tpu.memory_space<vmem_shared>> -> memref<50048xf32, #tpu.memory_space<vmem_shared>>
        tpu.enqueue_indirect_dma source(%dma_start3A_158 : memref<50048xf32, #tpu.memory_space<vmem_shared>>) target(%arg25 : memref<2560xf32, #tpu.memory_space<vmem>>) offsets(%arg17 : memref<2560xi32, #tpu.memory_space<vmem>>) semaphore(%arg61 : memref<!tpu.dma_semaphore, #tpu.memory_space<semaphore_mem>>)
        %dma_start3A_159 = arith.constant 0 : i32
        %dma_start3A_160 = tpu.memref_slice %arg11[%dma_start3A_159] : memref<50048xf32, #tpu.memory_space<vmem_shared>> -> memref<50048xf32, #tpu.memory_space<vmem_shared>>
        tpu.enqueue_indirect_dma source(%dma_start3A_160 : memref<50048xf32, #tpu.memory_space<vmem_shared>>) target(%arg26 : memref<2560xf32, #tpu.memory_space<vmem>>) offsets(%arg18 : memref<2560xi32, #tpu.memory_space<vmem>>) semaphore(%arg61 : memref<!tpu.dma_semaphore, #tpu.memory_space<semaphore_mem>>)
        %dma_start3A_161 = arith.constant 0 : i32
        %dma_start3A_162 = tpu.memref_slice %arg12[%dma_start3A_161] : memref<50048xf32, #tpu.memory_space<vmem_shared>> -> memref<50048xf32, #tpu.memory_space<vmem_shared>>
        tpu.enqueue_indirect_dma source(%dma_start3A_162 : memref<50048xf32, #tpu.memory_space<vmem_shared>>) target(%arg27 : memref<2560xf32, #tpu.memory_space<vmem>>) offsets(%arg18 : memref<2560xi32, #tpu.memory_space<vmem>>) semaphore(%arg61 : memref<!tpu.dma_semaphore, #tpu.memory_space<semaphore_mem>>)
        %dma_start3A_163 = arith.constant 0 : i32
        %dma_start3A_164 = tpu.memref_slice %arg13[%dma_start3A_163] : memref<50048xf32, #tpu.memory_space<vmem_shared>> -> memref<50048xf32, #tpu.memory_space<vmem_shared>>
        tpu.enqueue_indirect_dma source(%dma_start3A_164 : memref<50048xf32, #tpu.memory_space<vmem_shared>>) target(%arg28 : memref<2560xf32, #tpu.memory_space<vmem>>) offsets(%arg18 : memref<2560xi32, #tpu.memory_space<vmem>>) semaphore(%arg61 : memref<!tpu.dma_semaphore, #tpu.memory_space<semaphore_mem>>)
      } else {
      }
      %mul3A_131 = arith.constant 32 : i32
      %mul3A_132 = arith.muli %add3A_120, %mul3A_131 : i32
      %add3A_133 = arith.addi %mul3A_132, %add3A : i32
      %le3A_134 = arith.constant 1249 : i32
      %le3A_135 = arith.cmpi sle, %add3A_133, %le3A_134 : i32
      %convert_element_type3A_136 = arith.extui %le3A_135 : i1 to i32
      %cond3A_137 = arith.constant 0 : i32
      %cond3A_138 = arith.cmpi ne, %convert_element_type3A_136, %cond3A_137 : i32
      scf.if %cond3A_138 {
        %dma_wait3A_139 = arith.constant 0 : i32
        %dma_wait3A_140 = tpu.memref_slice %arg11[%dma_wait3A_139] : memref<50048xf32, #tpu.memory_space<vmem_shared>> -> memref<50048xf32, #tpu.memory_space<vmem_shared>>
        tpu.wait_indirect_dma semaphore(%arg63 : memref<!tpu.dma_semaphore, #tpu.memory_space<semaphore_mem>>) src(%dma_wait3A_140 : memref<50048xf32, #tpu.memory_space<vmem_shared>>) dst(%arg35 : memref<2560xf32, #tpu.memory_space<vmem>>)
        %dma_wait3A_141 = arith.constant 0 : i32
        %dma_wait3A_142 = tpu.memref_slice %arg11[%dma_wait3A_141] : memref<50048xf32, #tpu.memory_space<vmem_shared>> -> memref<50048xf32, #tpu.memory_space<vmem_shared>>
        tpu.wait_indirect_dma semaphore(%arg63 : memref<!tpu.dma_semaphore, #tpu.memory_space<semaphore_mem>>) src(%dma_wait3A_142 : memref<50048xf32, #tpu.memory_space<vmem_shared>>) dst(%arg36 : memref<2560xf32, #tpu.memory_space<vmem>>)
        %dma_wait3A_143 = arith.constant 0 : i32
        %dma_wait3A_144 = tpu.memref_slice %arg11[%dma_wait3A_143] : memref<50048xf32, #tpu.memory_space<vmem_shared>> -> memref<50048xf32, #tpu.memory_space<vmem_shared>>
        tpu.wait_indirect_dma semaphore(%arg63 : memref<!tpu.dma_semaphore, #tpu.memory_space<semaphore_mem>>) src(%dma_wait3A_144 : memref<50048xf32, #tpu.memory_space<vmem_shared>>) dst(%arg37 : memref<2560xf32, #tpu.memory_space<vmem>>)
        %dma_wait3A_145 = arith.constant 0 : i32
        %dma_wait3A_146 = tpu.memref_slice %arg11[%dma_wait3A_145] : memref<50048xf32, #tpu.memory_space<vmem_shared>> -> memref<50048xf32, #tpu.memory_space<vmem_shared>>
        tpu.wait_indirect_dma semaphore(%arg63 : memref<!tpu.dma_semaphore, #tpu.memory_space<semaphore_mem>>) src(%dma_wait3A_146 : memref<50048xf32, #tpu.memory_space<vmem_shared>>) dst(%arg38 : memref<2560xf32, #tpu.memory_space<vmem>>)
        %dma_wait3A_147 = arith.constant 0 : i32
        %dma_wait3A_148 = tpu.memref_slice %arg11[%dma_wait3A_147] : memref<50048xf32, #tpu.memory_space<vmem_shared>> -> memref<50048xf32, #tpu.memory_space<vmem_shared>>
        tpu.wait_indirect_dma semaphore(%arg63 : memref<!tpu.dma_semaphore, #tpu.memory_space<semaphore_mem>>) src(%dma_wait3A_148 : memref<50048xf32, #tpu.memory_space<vmem_shared>>) dst(%arg39 : memref<2560xf32, #tpu.memory_space<vmem>>)
        %dma_wait3A_149 = arith.constant 0 : i32
        %dma_wait3A_150 = tpu.memref_slice %arg11[%dma_wait3A_149] : memref<50048xf32, #tpu.memory_space<vmem_shared>> -> memref<50048xf32, #tpu.memory_space<vmem_shared>>
        tpu.wait_indirect_dma semaphore(%arg63 : memref<!tpu.dma_semaphore, #tpu.memory_space<semaphore_mem>>) src(%dma_wait3A_150 : memref<50048xf32, #tpu.memory_space<vmem_shared>>) dst(%arg40 : memref<2560xf32, #tpu.memory_space<vmem>>)
        %broadcast_in_dim3A_151 = arith.constant 0.000000e+00 : f32
        %broadcast_in_dim3A_152 = vector.broadcast %broadcast_in_dim3A_151 : f32 to vector<16xf32>
        %parallel_loop3A = arith.constant 0 : i32
        %parallel_loop3A_153 = arith.constant 2560 : i32
        %parallel_loop3A_154 = arith.constant 16 : i32
        %parallel_loop3A_155 = scf.for %parallel_loop3A_175 = %parallel_loop3A to %parallel_loop3A_153 step %parallel_loop3A_154 iter_args(%parallel_loop3A_176 = %broadcast_in_dim3A_152) -> (vector<16xf32>)  : i32 {
          %parallel_loop3A_177 = arith.index_cast %parallel_loop3A_175 : i32 to index
          %parallel_loop3A_178 = tpu.vector_load %arg38[%parallel_loop3A_177] {strides = array<i32>} : memref<2560xf32, #tpu.memory_space<vmem>>, vector<16xf32>,
          %parallel_loop3A_179 = vector.shape_cast %parallel_loop3A_178 : vector<16xf32> to vector<16xf32>
          %parallel_loop3A_180 = arith.index_cast %parallel_loop3A_175 : i32 to index
          %parallel_loop3A_181 = tpu.vector_load %arg35[%parallel_loop3A_180] {strides = array<i32>} : memref<2560xf32, #tpu.memory_space<vmem>>, vector<16xf32>,
          %parallel_loop3A_182 = vector.shape_cast %parallel_loop3A_181 : vector<16xf32> to vector<16xf32>
          %parallel_loop3A_183 = arith.subf %parallel_loop3A_179, %parallel_loop3A_182 : vector<16xf32>
          %parallel_loop3A_184 = arith.index_cast %parallel_loop3A_175 : i32 to index
          %parallel_loop3A_185 = tpu.vector_load %arg39[%parallel_loop3A_184] {strides = array<i32>} : memref<2560xf32, #tpu.memory_space<vmem>>, vector<16xf32>,
          %parallel_loop3A_186 = vector.shape_cast %parallel_loop3A_185 : vector<16xf32> to vector<16xf32>
          %parallel_loop3A_187 = arith.index_cast %parallel_loop3A_175 : i32 to index
          %parallel_loop3A_188 = tpu.vector_load %arg36[%parallel_loop3A_187] {strides = array<i32>} : memref<2560xf32, #tpu.memory_space<vmem>>, vector<16xf32>,
          %parallel_loop3A_189 = vector.shape_cast %parallel_loop3A_188 : vector<16xf32> to vector<16xf32>
          %parallel_loop3A_190 = arith.subf %parallel_loop3A_186, %parallel_loop3A_189 : vector<16xf32>
          %parallel_loop3A_191 = arith.index_cast %parallel_loop3A_175 : i32 to index
          %parallel_loop3A_192 = tpu.vector_load %arg40[%parallel_loop3A_191] {strides = array<i32>} : memref<2560xf32, #tpu.memory_space<vmem>>, vector<16xf32>,
          %parallel_loop3A_193 = vector.shape_cast %parallel_loop3A_192 : vector<16xf32> to vector<16xf32>
          %parallel_loop3A_194 = arith.index_cast %parallel_loop3A_175 : i32 to index
          %parallel_loop3A_195 = tpu.vector_load %arg37[%parallel_loop3A_194] {strides = array<i32>} : memref<2560xf32, #tpu.memory_space<vmem>>, vector<16xf32>,
          %parallel_loop3A_196 = vector.shape_cast %parallel_loop3A_195 : vector<16xf32> to vector<16xf32>
          %parallel_loop3A_197 = arith.subf %parallel_loop3A_193, %parallel_loop3A_196 : vector<16xf32>
          %parallel_loop3A_198 = arith.mulf %parallel_loop3A_183, %parallel_loop3A_183 : vector<16xf32>
          %parallel_loop3A_199 = arith.mulf %parallel_loop3A_190, %parallel_loop3A_190 : vector<16xf32>
          %parallel_loop3A_200 = arith.addf %parallel_loop3A_198, %parallel_loop3A_199 : vector<16xf32>
          %parallel_loop3A_201 = arith.mulf %parallel_loop3A_197, %parallel_loop3A_197 : vector<16xf32>
          %parallel_loop3A_202 = arith.addf %parallel_loop3A_200, %parallel_loop3A_201 : vector<16xf32>
          %parallel_loop3A_203 = arith.constant 0.000000e+00 : f32
          %parallel_loop3A_204 = vector.broadcast %parallel_loop3A_203 : f32 to vector<16xf32>
          %parallel_loop3A_205 = arith.cmpf ogt, %parallel_loop3A_202, %parallel_loop3A_204 : vector<16xf32>
          %parallel_loop3A_206 = arith.constant 6.250000e+00 : f32
          %parallel_loop3A_207 = vector.broadcast %parallel_loop3A_206 : f32 to vector<16xf32>
          %parallel_loop3A_208 = arith.cmpf olt, %parallel_loop3A_202, %parallel_loop3A_207 : vector<16xf32>
          %parallel_loop3A_209 = arith.andi %parallel_loop3A_205, %parallel_loop3A_208 : vector<16xi1>
          %parallel_loop3A_210 = arith.constant 1.000000e+00 : f32
          %parallel_loop3A_211 = vector.broadcast %parallel_loop3A_210 : f32 to vector<16xf32>
          %parallel_loop3A_212 = arith.select %parallel_loop3A_209, %parallel_loop3A_202, %parallel_loop3A_211 : vector<16xi1>, vector<16xf32>
          %parallel_loop3A_213 = arith.constant 1.000000e+00 : f32
          %parallel_loop3A_214 = vector.broadcast %parallel_loop3A_213 : f32 to vector<16xf32>
          %parallel_loop3A_215 = arith.divf %parallel_loop3A_214, %parallel_loop3A_212 : vector<16xf32>
          %parallel_loop3A_216 = arith.mulf %parallel_loop3A_215, %parallel_loop3A_215 : vector<16xf32>
          %parallel_loop3A_217 = arith.mulf %parallel_loop3A_216, %parallel_loop3A_215 : vector<16xf32>
          %parallel_loop3A_218 = arith.mulf %parallel_loop3A_217, %parallel_loop3A_217 : vector<16xf32>
          %parallel_loop3A_219 = arith.subf %parallel_loop3A_218, %parallel_loop3A_217 : vector<16xf32>
          %parallel_loop3A_220 = arith.constant 4.000000e+00 : f32
          %parallel_loop3A_221 = vector.broadcast %parallel_loop3A_220 : f32 to vector<16xf32>
          %parallel_loop3A_222 = arith.mulf %parallel_loop3A_221, %parallel_loop3A_219 : vector<16xf32>
          %parallel_loop3A_223 = arith.constant 0.000000e+00 : f32
          %parallel_loop3A_224 = vector.broadcast %parallel_loop3A_223 : f32 to vector<16xf32>
          %parallel_loop3A_225 = arith.select %parallel_loop3A_209, %parallel_loop3A_222, %parallel_loop3A_224 : vector<16xi1>, vector<16xf32>
          %parallel_loop3A_226 = arith.constant 2.400000e+01 : f32
          %parallel_loop3A_227 = vector.broadcast %parallel_loop3A_226 : f32 to vector<16xf32>
          %parallel_loop3A_228 = arith.mulf %parallel_loop3A_227, %parallel_loop3A_215 : vector<16xf32>
          %parallel_loop3A_229 = arith.constant 2.000000e+00 : f32
          %parallel_loop3A_230 = vector.broadcast %parallel_loop3A_229 : f32 to vector<16xf32>
          %parallel_loop3A_231 = arith.mulf %parallel_loop3A_230, %parallel_loop3A_218 : vector<16xf32>
          %parallel_loop3A_232 = arith.subf %parallel_loop3A_231, %parallel_loop3A_217 : vector<16xf32>
          %parallel_loop3A_233 = arith.mulf %parallel_loop3A_228, %parallel_loop3A_232 : vector<16xf32>
          %parallel_loop3A_234 = arith.constant 0.000000e+00 : f32
          %parallel_loop3A_235 = vector.broadcast %parallel_loop3A_234 : f32 to vector<16xf32>
          %parallel_loop3A_236 = arith.select %parallel_loop3A_209, %parallel_loop3A_233, %parallel_loop3A_235 : vector<16xi1>, vector<16xf32>
          %parallel_loop3A_237 = arith.mulf %parallel_loop3A_236, %parallel_loop3A_183 : vector<16xf32>
          %parallel_loop3A_238 = arith.mulf %parallel_loop3A_236, %parallel_loop3A_190 : vector<16xf32>
          %parallel_loop3A_239 = arith.mulf %parallel_loop3A_236, %parallel_loop3A_197 : vector<16xf32>
          %parallel_loop3A_240 = arith.index_cast %parallel_loop3A_175 : i32 to index
          %parallel_loop3A_241 = tpu.vector_load %arg56[%parallel_loop3A_240] {strides = array<i32>} : memref<2560xf32, #tpu.memory_space<vmem>>, vector<16xf32>,
          %parallel_loop3A_242 = vector.shape_cast %parallel_loop3A_241 : vector<16xf32> to vector<16xf32>
          %parallel_loop3A_243 = vector.shape_cast %parallel_loop3A_237 : vector<16xf32> to vector<16xf32>
          tpu.vector_store %arg56[%parallel_loop3A_240], %parallel_loop3A_243 {strides = array<i32>} : memref<2560xf32, #tpu.memory_space<vmem>>, vector<16xf32>,
          %parallel_loop3A_244 = arith.index_cast %parallel_loop3A_175 : i32 to index
          %parallel_loop3A_245 = tpu.vector_load %arg57[%parallel_loop3A_244] {strides = array<i32>} : memref<2560xf32, #tpu.memory_space<vmem>>, vector<16xf32>,
          %parallel_loop3A_246 = vector.shape_cast %parallel_loop3A_245 : vector<16xf32> to vector<16xf32>
          %parallel_loop3A_247 = vector.shape_cast %parallel_loop3A_238 : vector<16xf32> to vector<16xf32>
          tpu.vector_store %arg57[%parallel_loop3A_244], %parallel_loop3A_247 {strides = array<i32>} : memref<2560xf32, #tpu.memory_space<vmem>>, vector<16xf32>,
          %parallel_loop3A_248 = arith.index_cast %parallel_loop3A_175 : i32 to index
          %parallel_loop3A_249 = tpu.vector_load %arg58[%parallel_loop3A_248] {strides = array<i32>} : memref<2560xf32, #tpu.memory_space<vmem>>, vector<16xf32>,
          %parallel_loop3A_250 = vector.shape_cast %parallel_loop3A_249 : vector<16xf32> to vector<16xf32>
          %parallel_loop3A_251 = vector.shape_cast %parallel_loop3A_239 : vector<16xf32> to vector<16xf32>
          tpu.vector_store %arg58[%parallel_loop3A_248], %parallel_loop3A_251 {strides = array<i32>} : memref<2560xf32, #tpu.memory_space<vmem>>, vector<16xf32>,
          %parallel_loop3A_252 = arith.constant 0.000000e+00 : f32
          %parallel_loop3A_253 = vector.broadcast %parallel_loop3A_252 : f32 to vector<16xf32>
          %parallel_loop3A_254 = arith.subf %parallel_loop3A_253, %parallel_loop3A_237 : vector<16xf32>
          %parallel_loop3A_255 = arith.index_cast %parallel_loop3A_175 : i32 to index
          %parallel_loop3A_256 = tpu.vector_load %arg53[%parallel_loop3A_255] {strides = array<i32>} : memref<2560xf32, #tpu.memory_space<vmem>>, vector<16xf32>,
          %parallel_loop3A_257 = vector.shape_cast %parallel_loop3A_256 : vector<16xf32> to vector<16xf32>
          %parallel_loop3A_258 = vector.shape_cast %parallel_loop3A_254 : vector<16xf32> to vector<16xf32>
          tpu.vector_store %arg53[%parallel_loop3A_255], %parallel_loop3A_258 {strides = array<i32>} : memref<2560xf32, #tpu.memory_space<vmem>>, vector<16xf32>,
          %parallel_loop3A_259 = arith.constant 0.000000e+00 : f32
          %parallel_loop3A_260 = vector.broadcast %parallel_loop3A_259 : f32 to vector<16xf32>
          %parallel_loop3A_261 = arith.subf %parallel_loop3A_260, %parallel_loop3A_238 : vector<16xf32>
          %parallel_loop3A_262 = arith.index_cast %parallel_loop3A_175 : i32 to index
          %parallel_loop3A_263 = tpu.vector_load %arg54[%parallel_loop3A_262] {strides = array<i32>} : memref<2560xf32, #tpu.memory_space<vmem>>, vector<16xf32>,
          %parallel_loop3A_264 = vector.shape_cast %parallel_loop3A_263 : vector<16xf32> to vector<16xf32>
          %parallel_loop3A_265 = vector.shape_cast %parallel_loop3A_261 : vector<16xf32> to vector<16xf32>
          tpu.vector_store %arg54[%parallel_loop3A_262], %parallel_loop3A_265 {strides = array<i32>} : memref<2560xf32, #tpu.memory_space<vmem>>, vector<16xf32>,
          %parallel_loop3A_266 = arith.constant 0.000000e+00 : f32
          %parallel_loop3A_267 = vector.broadcast %parallel_loop3A_266 : f32 to vector<16xf32>
          %parallel_loop3A_268 = arith.subf %parallel_loop3A_267, %parallel_loop3A_239 : vector<16xf32>
          %parallel_loop3A_269 = arith.index_cast %parallel_loop3A_175 : i32 to index
          %parallel_loop3A_270 = tpu.vector_load %arg55[%parallel_loop3A_269] {strides = array<i32>} : memref<2560xf32, #tpu.memory_space<vmem>>, vector<16xf32>,
          %parallel_loop3A_271 = vector.shape_cast %parallel_loop3A_270 : vector<16xf32> to vector<16xf32>
          %parallel_loop3A_272 = vector.shape_cast %parallel_loop3A_268 : vector<16xf32> to vector<16xf32>
          tpu.vector_store %arg55[%parallel_loop3A_269], %parallel_loop3A_272 {strides = array<i32>} : memref<2560xf32, #tpu.memory_space<vmem>>, vector<16xf32>,
          %parallel_loop3A_273 = arith.addf %parallel_loop3A_176, %parallel_loop3A_225 : vector<16xf32>
          scf.yield %parallel_loop3A_273 : vector<16xf32>
        } {sc.loop_unroll_factor = 4 : i64, sc.parallel_access}
        %get3A = arith.constant 0 : index
        %get3A_156 = tpu.vector_load %arg59[%get3A] {strides = array<i32>} : memref<16xf32, #tpu.memory_space<vmem>>, vector<16xf32>,
        %get3A_157 = vector.shape_cast %get3A_156 : vector<16xf32> to vector<16xf32>
        %add3A_158 = arith.addf %get3A_157, %parallel_loop3A_155 : vector<16xf32>
        %swap3A_159 = arith.constant 0 : index
        %swap3A_160 = tpu.vector_load %arg59[%swap3A_159] {strides = array<i32>} : memref<16xf32, #tpu.memory_space<vmem>>, vector<16xf32>,
        %swap3A_161 = vector.shape_cast %swap3A_160 : vector<16xf32> to vector<16xf32>
        %swap3A_162 = vector.shape_cast %add3A_158 : vector<16xf32> to vector<16xf32>
        tpu.vector_store %arg59[%swap3A_159], %swap3A_162 {strides = array<i32>} : memref<16xf32, #tpu.memory_space<vmem>>, vector<16xf32>,
        %dma_start3A_163 = arith.constant 0 : i32
        %dma_start3A_164 = tpu.memref_slice %arg14[%dma_start3A_163] : memref<50048xf32, #tpu.memory_space<vmem_shared>> -> memref<50048xf32, #tpu.memory_space<vmem_shared>>
        tpu.enqueue_indirect_dma source(%arg53 : memref<2560xf32, #tpu.memory_space<vmem>>) target(%dma_start3A_164 : memref<50048xf32, #tpu.memory_space<vmem_shared>>) offsets(%arg21 : memref<2560xi32, #tpu.memory_space<vmem>>) semaphore(%arg66 : memref<!tpu.dma_semaphore, #tpu.memory_space<semaphore_mem>>) {add = true}
        %dma_start3A_165 = arith.constant 0 : i32
        %dma_start3A_166 = tpu.memref_slice %arg15[%dma_start3A_165] : memref<50048xf32, #tpu.memory_space<vmem_shared>> -> memref<50048xf32, #tpu.memory_space<vmem_shared>>
        tpu.enqueue_indirect_dma source(%arg54 : memref<2560xf32, #tpu.memory_space<vmem>>) target(%dma_start3A_166 : memref<50048xf32, #tpu.memory_space<vmem_shared>>) offsets(%arg21 : memref<2560xi32, #tpu.memory_space<vmem>>) semaphore(%arg66 : memref<!tpu.dma_semaphore, #tpu.memory_space<semaphore_mem>>) {add = true}
        %dma_start3A_167 = arith.constant 0 : i32
        %dma_start3A_168 = tpu.memref_slice %arg16[%dma_start3A_167] : memref<50048xf32, #tpu.memory_space<vmem_shared>> -> memref<50048xf32, #tpu.memory_space<vmem_shared>>
        tpu.enqueue_indirect_dma source(%arg55 : memref<2560xf32, #tpu.memory_space<vmem>>) target(%dma_start3A_168 : memref<50048xf32, #tpu.memory_space<vmem_shared>>) offsets(%arg21 : memref<2560xi32, #tpu.memory_space<vmem>>) semaphore(%arg66 : memref<!tpu.dma_semaphore, #tpu.memory_space<semaphore_mem>>) {add = true}
        %dma_start3A_169 = arith.constant 0 : i32
        %dma_start3A_170 = tpu.memref_slice %arg14[%dma_start3A_169] : memref<50048xf32, #tpu.memory_space<vmem_shared>> -> memref<50048xf32, #tpu.memory_space<vmem_shared>>
        tpu.enqueue_indirect_dma source(%arg56 : memref<2560xf32, #tpu.memory_space<vmem>>) target(%dma_start3A_170 : memref<50048xf32, #tpu.memory_space<vmem_shared>>) offsets(%arg22 : memref<2560xi32, #tpu.memory_space<vmem>>) semaphore(%arg66 : memref<!tpu.dma_semaphore, #tpu.memory_space<semaphore_mem>>) {add = true}
        %dma_start3A_171 = arith.constant 0 : i32
        %dma_start3A_172 = tpu.memref_slice %arg15[%dma_start3A_171] : memref<50048xf32, #tpu.memory_space<vmem_shared>> -> memref<50048xf32, #tpu.memory_space<vmem_shared>>
        tpu.enqueue_indirect_dma source(%arg57 : memref<2560xf32, #tpu.memory_space<vmem>>) target(%dma_start3A_172 : memref<50048xf32, #tpu.memory_space<vmem_shared>>) offsets(%arg22 : memref<2560xi32, #tpu.memory_space<vmem>>) semaphore(%arg66 : memref<!tpu.dma_semaphore, #tpu.memory_space<semaphore_mem>>) {add = true}
        %dma_start3A_173 = arith.constant 0 : i32
        %dma_start3A_174 = tpu.memref_slice %arg16[%dma_start3A_173] : memref<50048xf32, #tpu.memory_space<vmem_shared>> -> memref<50048xf32, #tpu.memory_space<vmem_shared>>
        tpu.enqueue_indirect_dma source(%arg58 : memref<2560xf32, #tpu.memory_space<vmem>>) target(%dma_start3A_174 : memref<50048xf32, #tpu.memory_space<vmem_shared>>) offsets(%arg22 : memref<2560xi32, #tpu.memory_space<vmem>>) semaphore(%arg66 : memref<!tpu.dma_semaphore, #tpu.memory_space<semaphore_mem>>) {add = true}
      } else {
      }
    }
    %scan3A_25 = arith.constant 14 : i32
    %dma_wait3A = arith.constant 0 : i32
    %dma_wait3A_26 = tpu.memref_slice %arg14[%dma_wait3A] : memref<50048xf32, #tpu.memory_space<vmem_shared>> -> memref<50048xf32, #tpu.memory_space<vmem_shared>>
    tpu.wait_indirect_dma semaphore(%arg64 : memref<!tpu.dma_semaphore, #tpu.memory_space<semaphore_mem>>) src(%arg41 : memref<2560xf32, #tpu.memory_space<vmem>>) dst(%dma_wait3A_26 : memref<50048xf32, #tpu.memory_space<vmem_shared>>)
    %dma_wait3A_27 = arith.constant 0 : i32
    %dma_wait3A_28 = tpu.memref_slice %arg15[%dma_wait3A_27] : memref<50048xf32, #tpu.memory_space<vmem_shared>> -> memref<50048xf32, #tpu.memory_space<vmem_shared>>
    tpu.wait_indirect_dma semaphore(%arg64 : memref<!tpu.dma_semaphore, #tpu.memory_space<semaphore_mem>>) src(%arg42 : memref<2560xf32, #tpu.memory_space<vmem>>) dst(%dma_wait3A_28 : memref<50048xf32, #tpu.memory_space<vmem_shared>>)
    %dma_wait3A_29 = arith.constant 0 : i32
    %dma_wait3A_30 = tpu.memref_slice %arg16[%dma_wait3A_29] : memref<50048xf32, #tpu.memory_space<vmem_shared>> -> memref<50048xf32, #tpu.memory_space<vmem_shared>>
    tpu.wait_indirect_dma semaphore(%arg64 : memref<!tpu.dma_semaphore, #tpu.memory_space<semaphore_mem>>) src(%arg43 : memref<2560xf32, #tpu.memory_space<vmem>>) dst(%dma_wait3A_30 : memref<50048xf32, #tpu.memory_space<vmem_shared>>)
    %dma_wait3A_31 = arith.constant 0 : i32
    %dma_wait3A_32 = tpu.memref_slice %arg14[%dma_wait3A_31] : memref<50048xf32, #tpu.memory_space<vmem_shared>> -> memref<50048xf32, #tpu.memory_space<vmem_shared>>
    tpu.wait_indirect_dma semaphore(%arg64 : memref<!tpu.dma_semaphore, #tpu.memory_space<semaphore_mem>>) src(%arg44 : memref<2560xf32, #tpu.memory_space<vmem>>) dst(%dma_wait3A_32 : memref<50048xf32, #tpu.memory_space<vmem_shared>>)
    %dma_wait3A_33 = arith.constant 0 : i32
    %dma_wait3A_34 = tpu.memref_slice %arg15[%dma_wait3A_33] : memref<50048xf32, #tpu.memory_space<vmem_shared>> -> memref<50048xf32, #tpu.memory_space<vmem_shared>>
    tpu.wait_indirect_dma semaphore(%arg64 : memref<!tpu.dma_semaphore, #tpu.memory_space<semaphore_mem>>) src(%arg45 : memref<2560xf32, #tpu.memory_space<vmem>>) dst(%dma_wait3A_34 : memref<50048xf32, #tpu.memory_space<vmem_shared>>)
    %dma_wait3A_35 = arith.constant 0 : i32
    %dma_wait3A_36 = tpu.memref_slice %arg16[%dma_wait3A_35] : memref<50048xf32, #tpu.memory_space<vmem_shared>> -> memref<50048xf32, #tpu.memory_space<vmem_shared>>
    tpu.wait_indirect_dma semaphore(%arg64 : memref<!tpu.dma_semaphore, #tpu.memory_space<semaphore_mem>>) src(%arg46 : memref<2560xf32, #tpu.memory_space<vmem>>) dst(%dma_wait3A_36 : memref<50048xf32, #tpu.memory_space<vmem_shared>>)
    %dma_wait3A_37 = arith.constant 0 : i32
    %dma_wait3A_38 = tpu.memref_slice %arg14[%dma_wait3A_37] : memref<50048xf32, #tpu.memory_space<vmem_shared>> -> memref<50048xf32, #tpu.memory_space<vmem_shared>>
    tpu.wait_indirect_dma semaphore(%arg65 : memref<!tpu.dma_semaphore, #tpu.memory_space<semaphore_mem>>) src(%arg47 : memref<2560xf32, #tpu.memory_space<vmem>>) dst(%dma_wait3A_38 : memref<50048xf32, #tpu.memory_space<vmem_shared>>)
    %dma_wait3A_39 = arith.constant 0 : i32
    %dma_wait3A_40 = tpu.memref_slice %arg15[%dma_wait3A_39] : memref<50048xf32, #tpu.memory_space<vmem_shared>> -> memref<50048xf32, #tpu.memory_space<vmem_shared>>
    tpu.wait_indirect_dma semaphore(%arg65 : memref<!tpu.dma_semaphore, #tpu.memory_space<semaphore_mem>>) src(%arg48 : memref<2560xf32, #tpu.memory_space<vmem>>) dst(%dma_wait3A_40 : memref<50048xf32, #tpu.memory_space<vmem_shared>>)
    %dma_wait3A_41 = arith.constant 0 : i32
    %dma_wait3A_42 = tpu.memref_slice %arg16[%dma_wait3A_41] : memref<50048xf32, #tpu.memory_space<vmem_shared>> -> memref<50048xf32, #tpu.memory_space<vmem_shared>>
    tpu.wait_indirect_dma semaphore(%arg65 : memref<!tpu.dma_semaphore, #tpu.memory_space<semaphore_mem>>) src(%arg49 : memref<2560xf32, #tpu.memory_space<vmem>>) dst(%dma_wait3A_42 : memref<50048xf32, #tpu.memory_space<vmem_shared>>)
    %dma_wait3A_43 = arith.constant 0 : i32
    %dma_wait3A_44 = tpu.memref_slice %arg14[%dma_wait3A_43] : memref<50048xf32, #tpu.memory_space<vmem_shared>> -> memref<50048xf32, #tpu.memory_space<vmem_shared>>
    tpu.wait_indirect_dma semaphore(%arg65 : memref<!tpu.dma_semaphore, #tpu.memory_space<semaphore_mem>>) src(%arg50 : memref<2560xf32, #tpu.memory_space<vmem>>) dst(%dma_wait3A_44 : memref<50048xf32, #tpu.memory_space<vmem_shared>>)
    %dma_wait3A_45 = arith.constant 0 : i32
    %dma_wait3A_46 = tpu.memref_slice %arg15[%dma_wait3A_45] : memref<50048xf32, #tpu.memory_space<vmem_shared>> -> memref<50048xf32, #tpu.memory_space<vmem_shared>>
    tpu.wait_indirect_dma semaphore(%arg65 : memref<!tpu.dma_semaphore, #tpu.memory_space<semaphore_mem>>) src(%arg51 : memref<2560xf32, #tpu.memory_space<vmem>>) dst(%dma_wait3A_46 : memref<50048xf32, #tpu.memory_space<vmem_shared>>)
    %dma_wait3A_47 = arith.constant 0 : i32
    %dma_wait3A_48 = tpu.memref_slice %arg16[%dma_wait3A_47] : memref<50048xf32, #tpu.memory_space<vmem_shared>> -> memref<50048xf32, #tpu.memory_space<vmem_shared>>
    tpu.wait_indirect_dma semaphore(%arg65 : memref<!tpu.dma_semaphore, #tpu.memory_space<semaphore_mem>>) src(%arg52 : memref<2560xf32, #tpu.memory_space<vmem>>) dst(%dma_wait3A_48 : memref<50048xf32, #tpu.memory_space<vmem_shared>>)
    %dma_wait3A_49 = arith.constant 0 : i32
    %dma_wait3A_50 = tpu.memref_slice %arg14[%dma_wait3A_49] : memref<50048xf32, #tpu.memory_space<vmem_shared>> -> memref<50048xf32, #tpu.memory_space<vmem_shared>>
    tpu.wait_indirect_dma semaphore(%arg66 : memref<!tpu.dma_semaphore, #tpu.memory_space<semaphore_mem>>) src(%arg53 : memref<2560xf32, #tpu.memory_space<vmem>>) dst(%dma_wait3A_50 : memref<50048xf32, #tpu.memory_space<vmem_shared>>)
    %dma_wait3A_51 = arith.constant 0 : i32
    %dma_wait3A_52 = tpu.memref_slice %arg15[%dma_wait3A_51] : memref<50048xf32, #tpu.memory_space<vmem_shared>> -> memref<50048xf32, #tpu.memory_space<vmem_shared>>
    tpu.wait_indirect_dma semaphore(%arg66 : memref<!tpu.dma_semaphore, #tpu.memory_space<semaphore_mem>>) src(%arg54 : memref<2560xf32, #tpu.memory_space<vmem>>) dst(%dma_wait3A_52 : memref<50048xf32, #tpu.memory_space<vmem_shared>>)
    %dma_wait3A_53 = arith.constant 0 : i32
    %dma_wait3A_54 = tpu.memref_slice %arg16[%dma_wait3A_53] : memref<50048xf32, #tpu.memory_space<vmem_shared>> -> memref<50048xf32, #tpu.memory_space<vmem_shared>>
    tpu.wait_indirect_dma semaphore(%arg66 : memref<!tpu.dma_semaphore, #tpu.memory_space<semaphore_mem>>) src(%arg55 : memref<2560xf32, #tpu.memory_space<vmem>>) dst(%dma_wait3A_54 : memref<50048xf32, #tpu.memory_space<vmem_shared>>)
    %dma_wait3A_55 = arith.constant 0 : i32
    %dma_wait3A_56 = tpu.memref_slice %arg14[%dma_wait3A_55] : memref<50048xf32, #tpu.memory_space<vmem_shared>> -> memref<50048xf32, #tpu.memory_space<vmem_shared>>
    tpu.wait_indirect_dma semaphore(%arg66 : memref<!tpu.dma_semaphore, #tpu.memory_space<semaphore_mem>>) src(%arg56 : memref<2560xf32, #tpu.memory_space<vmem>>) dst(%dma_wait3A_56 : memref<50048xf32, #tpu.memory_space<vmem_shared>>)
    %dma_wait3A_57 = arith.constant 0 : i32
    %dma_wait3A_58 = tpu.memref_slice %arg15[%dma_wait3A_57] : memref<50048xf32, #tpu.memory_space<vmem_shared>> -> memref<50048xf32, #tpu.memory_space<vmem_shared>>
    tpu.wait_indirect_dma semaphore(%arg66 : memref<!tpu.dma_semaphore, #tpu.memory_space<semaphore_mem>>) src(%arg57 : memref<2560xf32, #tpu.memory_space<vmem>>) dst(%dma_wait3A_58 : memref<50048xf32, #tpu.memory_space<vmem_shared>>)
    %dma_wait3A_59 = arith.constant 0 : i32
    %dma_wait3A_60 = tpu.memref_slice %arg16[%dma_wait3A_59] : memref<50048xf32, #tpu.memory_space<vmem_shared>> -> memref<50048xf32, #tpu.memory_space<vmem_shared>>
    tpu.wait_indirect_dma semaphore(%arg66 : memref<!tpu.dma_semaphore, #tpu.memory_space<semaphore_mem>>) src(%arg58 : memref<2560xf32, #tpu.memory_space<vmem>>) dst(%dma_wait3A_60 : memref<50048xf32, #tpu.memory_space<vmem_shared>>)
    %barrier3A_61 = arith.constant 0 : index
    tpu.barrier barrier_id(%barrier3A_61)
    %mul3A_62 = arith.constant 3 : i32
    %mul3A_63 = arith.muli %arg0, %mul3A_62 : i32
    %mul3A_64 = arith.constant 50048 : i32
    %mul3A_65 = arith.muli %mul3A_63, %mul3A_64 : i32
    %add3A_66 = arith.addi %mul3A_65, %mul3A_2 : i32
    "tpu.region"() ({
      %run_scoped3A = tpu.sem_alloc : memref<!tpu.dma_semaphore, #tpu.memory_space<semaphore_mem>>
      %dma_start3A_75 = tpu.memref_slice %arg14[%mul3A_2] : memref<50048xf32, #tpu.memory_space<vmem_shared>> -> memref<3128xf32, #tpu.memory_space<vmem_shared>>
      %dma_start3A_76 = tpu.memref_slice %arg14[%mul3A_2] : memref<50048xf32, #tpu.memory_space<vmem_shared>> -> memref<3128xf32, #tpu.memory_space<vmem_shared>>
      tpu.enqueue_dma source(%dma_start3A_76 : memref<3128xf32, #tpu.memory_space<vmem_shared>>) target(%arg60 : memref<3128xf32, #tpu.memory_space<vmem>>) target_semaphore(%run_scoped3A : memref<!tpu.dma_semaphore, #tpu.memory_space<semaphore_mem>>)
      %dma_wait3A_77 = tpu.memref_slice %arg14[%mul3A_2] : memref<50048xf32, #tpu.memory_space<vmem_shared>> -> memref<3128xf32, #tpu.memory_space<vmem_shared>>
      %dma_wait3A_78 = tpu.memref_slice %arg14[%mul3A_2] : memref<50048xf32, #tpu.memory_space<vmem_shared>> -> memref<3128xf32, #tpu.memory_space<vmem_shared>>
      tpu.wait_dma2 semaphore(%run_scoped3A : memref<!tpu.dma_semaphore, #tpu.memory_space<semaphore_mem>>) src(%dma_wait3A_78 : memref<3128xf32, #tpu.memory_space<vmem_shared>>) dst(%arg60 : memref<3128xf32, #tpu.memory_space<vmem>>)
      tpu.yield
    }) : () -> ()
    %add3A_67 = arith.constant 0 : i32
    %add3A_68 = arith.addi %add3A_66, %add3A_67 : i32
    "tpu.region"() ({
      %run_scoped3A = tpu.sem_alloc : memref<!tpu.dma_semaphore, #tpu.memory_space<semaphore_mem>>
      %dma_start3A_75 = tpu.memref_slice %arg9[%add3A_68] : memref<300288xf32, #tpu.memory_space<hbm>> -> memref<3128xf32, #tpu.memory_space<hbm>>
      %dma_start3A_76 = tpu.memref_slice %arg9[%add3A_68] : memref<300288xf32, #tpu.memory_space<hbm>> -> memref<3128xf32, #tpu.memory_space<hbm>>
      tpu.enqueue_dma source(%arg60 : memref<3128xf32, #tpu.memory_space<vmem>>) target(%dma_start3A_76 : memref<3128xf32, #tpu.memory_space<hbm>>) target_semaphore(%run_scoped3A : memref<!tpu.dma_semaphore, #tpu.memory_space<semaphore_mem>>)
      %dma_wait3A_77 = tpu.memref_slice %arg9[%add3A_68] : memref<300288xf32, #tpu.memory_space<hbm>> -> memref<3128xf32, #tpu.memory_space<hbm>>
      %dma_wait3A_78 = tpu.memref_slice %arg9[%add3A_68] : memref<300288xf32, #tpu.memory_space<hbm>> -> memref<3128xf32, #tpu.memory_space<hbm>>
      tpu.wait_dma2 semaphore(%run_scoped3A : memref<!tpu.dma_semaphore, #tpu.memory_space<semaphore_mem>>) src(%arg60 : memref<3128xf32, #tpu.memory_space<vmem>>) dst(%dma_wait3A_78 : memref<3128xf32, #tpu.memory_space<hbm>>)
      tpu.yield
    }) : () -> ()
    "tpu.region"() ({
      %run_scoped3A = tpu.sem_alloc : memref<!tpu.dma_semaphore, #tpu.memory_space<semaphore_mem>>
      %dma_start3A_75 = tpu.memref_slice %arg15[%mul3A_2] : memref<50048xf32, #tpu.memory_space<vmem_shared>> -> memref<3128xf32, #tpu.memory_space<vmem_shared>>
      %dma_start3A_76 = tpu.memref_slice %arg15[%mul3A_2] : memref<50048xf32, #tpu.memory_space<vmem_shared>> -> memref<3128xf32, #tpu.memory_space<vmem_shared>>
      tpu.enqueue_dma source(%dma_start3A_76 : memref<3128xf32, #tpu.memory_space<vmem_shared>>) target(%arg60 : memref<3128xf32, #tpu.memory_space<vmem>>) target_semaphore(%run_scoped3A : memref<!tpu.dma_semaphore, #tpu.memory_space<semaphore_mem>>)
      %dma_wait3A_77 = tpu.memref_slice %arg15[%mul3A_2] : memref<50048xf32, #tpu.memory_space<vmem_shared>> -> memref<3128xf32, #tpu.memory_space<vmem_shared>>
      %dma_wait3A_78 = tpu.memref_slice %arg15[%mul3A_2] : memref<50048xf32, #tpu.memory_space<vmem_shared>> -> memref<3128xf32, #tpu.memory_space<vmem_shared>>
      tpu.wait_dma2 semaphore(%run_scoped3A : memref<!tpu.dma_semaphore, #tpu.memory_space<semaphore_mem>>) src(%dma_wait3A_78 : memref<3128xf32, #tpu.memory_space<vmem_shared>>) dst(%arg60 : memref<3128xf32, #tpu.memory_space<vmem>>)
      tpu.yield
    }) : () -> ()
    %add3A_69 = arith.constant 50048 : i32
    %add3A_70 = arith.addi %add3A_66, %add3A_69 : i32
    "tpu.region"() ({
      %run_scoped3A = tpu.sem_alloc : memref<!tpu.dma_semaphore, #tpu.memory_space<semaphore_mem>>
      %dma_start3A_75 = tpu.memref_slice %arg9[%add3A_70] : memref<300288xf32, #tpu.memory_space<hbm>> -> memref<3128xf32, #tpu.memory_space<hbm>>
      %dma_start3A_76 = tpu.memref_slice %arg9[%add3A_70] : memref<300288xf32, #tpu.memory_space<hbm>> -> memref<3128xf32, #tpu.memory_space<hbm>>
      tpu.enqueue_dma source(%arg60 : memref<3128xf32, #tpu.memory_space<vmem>>) target(%dma_start3A_76 : memref<3128xf32, #tpu.memory_space<hbm>>) target_semaphore(%run_scoped3A : memref<!tpu.dma_semaphore, #tpu.memory_space<semaphore_mem>>)
      %dma_wait3A_77 = tpu.memref_slice %arg9[%add3A_70] : memref<300288xf32, #tpu.memory_space<hbm>> -> memref<3128xf32, #tpu.memory_space<hbm>>
      %dma_wait3A_78 = tpu.memref_slice %arg9[%add3A_70] : memref<300288xf32, #tpu.memory_space<hbm>> -> memref<3128xf32, #tpu.memory_space<hbm>>
      tpu.wait_dma2 semaphore(%run_scoped3A : memref<!tpu.dma_semaphore, #tpu.memory_space<semaphore_mem>>) src(%arg60 : memref<3128xf32, #tpu.memory_space<vmem>>) dst(%dma_wait3A_78 : memref<3128xf32, #tpu.memory_space<hbm>>)
      tpu.yield
    }) : () -> ()
    "tpu.region"() ({
      %run_scoped3A = tpu.sem_alloc : memref<!tpu.dma_semaphore, #tpu.memory_space<semaphore_mem>>
      %dma_start3A_75 = tpu.memref_slice %arg16[%mul3A_2] : memref<50048xf32, #tpu.memory_space<vmem_shared>> -> memref<3128xf32, #tpu.memory_space<vmem_shared>>
      %dma_start3A_76 = tpu.memref_slice %arg16[%mul3A_2] : memref<50048xf32, #tpu.memory_space<vmem_shared>> -> memref<3128xf32, #tpu.memory_space<vmem_shared>>
      tpu.enqueue_dma source(%dma_start3A_76 : memref<3128xf32, #tpu.memory_space<vmem_shared>>) target(%arg60 : memref<3128xf32, #tpu.memory_space<vmem>>) target_semaphore(%run_scoped3A : memref<!tpu.dma_semaphore, #tpu.memory_space<semaphore_mem>>)
      %dma_wait3A_77 = tpu.memref_slice %arg16[%mul3A_2] : memref<50048xf32, #tpu.memory_space<vmem_shared>> -> memref<3128xf32, #tpu.memory_space<vmem_shared>>
      %dma_wait3A_78 = tpu.memref_slice %arg16[%mul3A_2] : memref<50048xf32, #tpu.memory_space<vmem_shared>> -> memref<3128xf32, #tpu.memory_space<vmem_shared>>
      tpu.wait_dma2 semaphore(%run_scoped3A : memref<!tpu.dma_semaphore, #tpu.memory_space<semaphore_mem>>) src(%dma_wait3A_78 : memref<3128xf32, #tpu.memory_space<vmem_shared>>) dst(%arg60 : memref<3128xf32, #tpu.memory_space<vmem>>)
      tpu.yield
    }) : () -> ()
    %add3A_71 = arith.constant 100096 : i32
    %add3A_72 = arith.addi %add3A_66, %add3A_71 : i32
    "tpu.region"() ({
      %run_scoped3A = tpu.sem_alloc : memref<!tpu.dma_semaphore, #tpu.memory_space<semaphore_mem>>
      %dma_start3A_75 = tpu.memref_slice %arg9[%add3A_72] : memref<300288xf32, #tpu.memory_space<hbm>> -> memref<3128xf32, #tpu.memory_space<hbm>>
      %dma_start3A_76 = tpu.memref_slice %arg9[%add3A_72] : memref<300288xf32, #tpu.memory_space<hbm>> -> memref<3128xf32, #tpu.memory_space<hbm>>
      tpu.enqueue_dma source(%arg60 : memref<3128xf32, #tpu.memory_space<vmem>>) target(%dma_start3A_76 : memref<3128xf32, #tpu.memory_space<hbm>>) target_semaphore(%run_scoped3A : memref<!tpu.dma_semaphore, #tpu.memory_space<semaphore_mem>>)
      %dma_wait3A_77 = tpu.memref_slice %arg9[%add3A_72] : memref<300288xf32, #tpu.memory_space<hbm>> -> memref<3128xf32, #tpu.memory_space<hbm>>
      %dma_wait3A_78 = tpu.memref_slice %arg9[%add3A_72] : memref<300288xf32, #tpu.memory_space<hbm>> -> memref<3128xf32, #tpu.memory_space<hbm>>
      tpu.wait_dma2 semaphore(%run_scoped3A : memref<!tpu.dma_semaphore, #tpu.memory_space<semaphore_mem>>) src(%arg60 : memref<3128xf32, #tpu.memory_space<vmem>>) dst(%dma_wait3A_78 : memref<3128xf32, #tpu.memory_space<hbm>>)
      tpu.yield
    }) : () -> ()
    %mul3A_73 = arith.constant 16 : i32
    %mul3A_74 = arith.muli %add3A, %mul3A_73 : i32
    "tpu.region"() ({
      %run_scoped3A = tpu.sem_alloc : memref<!tpu.dma_semaphore, #tpu.memory_space<semaphore_mem>>
      %dma_start3A_75 = tpu.memref_slice %arg10[%mul3A_74] : memref<512xf32, #tpu.memory_space<hbm>> -> memref<16xf32, #tpu.memory_space<hbm>>
      %dma_start3A_76 = tpu.memref_slice %arg10[%mul3A_74] : memref<512xf32, #tpu.memory_space<hbm>> -> memref<16xf32, #tpu.memory_space<hbm>>
      tpu.enqueue_dma source(%arg59 : memref<16xf32, #tpu.memory_space<vmem>>) target(%dma_start3A_76 : memref<16xf32, #tpu.memory_space<hbm>>) target_semaphore(%run_scoped3A : memref<!tpu.dma_semaphore, #tpu.memory_space<semaphore_mem>>)
      %dma_wait3A_77 = tpu.memref_slice %arg10[%mul3A_74] : memref<512xf32, #tpu.memory_space<hbm>> -> memref<16xf32, #tpu.memory_space<hbm>>
      %dma_wait3A_78 = tpu.memref_slice %arg10[%mul3A_74] : memref<512xf32, #tpu.memory_space<hbm>> -> memref<16xf32, #tpu.memory_space<hbm>>
      tpu.wait_dma2 semaphore(%run_scoped3A : memref<!tpu.dma_semaphore, #tpu.memory_space<semaphore_mem>>) src(%arg59 : memref<16xf32, #tpu.memory_space<vmem>>) dst(%dma_wait3A_78 : memref<16xf32, #tpu.memory_space<hbm>>)
      tpu.yield
    }) : () -> ()
    return
  }
}

</mosaic_0001>

<sc_bundles>
// kernel: _lj_call.3.cloned.1.call-start
scs
__scs_entry_jumppad:
0x0: {  	(pc) =	sbr.rel $0x88, $3  }
0x1: {  	(tag) =	ssettag $0x0;
	lr =	simm.s32 $0x1  }
0x2: {  	[smem:$0x3F9A] =	sst lr;
	_ =	strace $0xD0000000  }
0x3: {  	_ = 	snop  }
0x4: {  	_ = 	snop  }
0x5: {  	_ = 	snop  }
0x6: {  	_ = 	snop  }
0x7: {  	_ = 	snop  }
__scs_overlays_trampoline_lowered:
0x8: {  	[smem:$0x3FA9] =	sst s0  }
0x9: {  	[smem:$0x3FAA] =	sst s1  }
0xa: {  	[smem:$0x3FAB] =	sst s2  }
0xb: {  	[smem:$0x3FAC] =	sst s3  }
0xc: {  	[smem:$0x3FAD] =	sst s4  }
0xd: {  	[smem:$0x3FAE] =	sst s5  }
0xe: {  	[smem:$0x3FAF] =	sst s6  }
0xf: {  	[smem:$0x3FB0] =	sst s7  }
0x10: {  	[smem:$0x3FB1] =	sst s8  }
0x11: {  	[smem:$0x3FB2] =	sst s9;
	s0 =	simm.s32 @!p0 $0x0  }
0x12: {  	s1 =	sld [smem:$0x3F98];
	s0 =	simm.s32 @p0 $0x1  }
0x13: {  	[smem:$0x3FB3] =	sst s0;
	s0 =	simm.s32 @!p1 $0x0  }
0x14: {  	s2 =	sld [smem:$0x3F97];
	s0 =	simm.s32 @p1 $0x1  }
0x15: {  	[smem:$0x3FB4] =	sst s0;
	s0 =	simm.s32 @!p2 $0x0  }
0x16: {  	s3 =	sld [smem:$0x3FDB];
	s0 =	simm.s32 @p2 $0x1  }
0x17: {  	s4 =	simm.s32 $0x1BF5;
	[smem:$0x3FB6] =	sst s0  }
0x18: {  	s0 =	sld [smem:$0x3F99];
	_ =	swait.ge [sflag:s4], $0x0  }
0x19: {  	s7 =	sld [smem:$0x3F9A]  }
0x1a: {  	s8 =	sadd.s32 $0xFFFFE003, lr  }
0x1b: {  	s9 =	sadd.s32 $0xFFFFFEF7, lr;
	s5 =	simm.s32 $0xFFFFFFFF;
	p2 =	slt.u32 s8, $0xFFFFF086  }
0x1c: {  	p1 =	slt.u32 s9, $0xF7A;
	s5 =	simm.s32 @!p2 $0x0  }
0x1d: {  	s5 =	simm.s32 @p1 $0x1;
	p0 =	seq.s32 s7, s2  }
0x1e: {  	s7 =	smul.u32 @!p0 $0xF7A, s2;
	p2 =	seq.s32 @!p0 s5, $0x0  }
0x1f: {  	s9 =	smul.u32 $0xF7A, s1;
	s8 =	simm.s32 @!p0 $0x1BF5;
	p2 =	por !p2, p0  }
0x20: {  	[sflag:s8] =	ssyncset.s32 @!p0 $0xFFFFF086;
	s6 =	sadd.s32 @!p0 s3, s7;
	s7 =	simm.s32 @!p0 $0x108  }
0x21: {  	s3 =	sadd.s32 s3, s9;
	s6 =	sadd.s32 @!p0 $0x88, s6;
	s7 =	simm.s32 @p2 $0x1082  }
0x22: {  	[simem:s7], [sflag:s8] =	dma.local @!p0 [hbm:s6], $0xF7A  }
0x23: {  	s9 =	sor.u32 $0xD0000000, s2;
	s6 =	simm.s32 $0x108;
	_ =	swait.ge @!p0 [sflag:s8], $0x0  }
0x24: {  	s3 =	sadd.s32 $0x88, s3;
	s6 =	simm.s32 @!p1 $0x1082;
	[sflag:s4] =	ssyncset.s32 $0xFFFFF086  }
0x25: {  	[simem:s6], [sflag:s4] =	dma.local [hbm:s3], $0xF7A  }
0x26: {  	[smem:$0x3F9A] =	sst s1;
	(tag) =	ssettag s2;
	_ =	strace s9  }
0x27: {  	s1 =	sld [smem:$0x3FAA]  }
0x28: {  	s2 =	sld [smem:$0x3FAB]  }
0x29: {  	s4 =	sld [smem:$0x3FAD]  }
0x2a: {  	p0 =	seq.s32 s5, $0x0;
	s5 =	sld [smem:$0x3FAE]  }
0x2b: {  	s6 =	sld [smem:$0x3FAF]  }
0x2c: {  	s7 =	sld [smem:$0x3FB0]  }
0x2d: {  	s3 =	simm.s32 $0x108;
	s8 =	sld [smem:$0x3FB1]  }
0x2e: {  	s3 =	simm.s32 @!p0 $0x1082;
	s9 =	sld [smem:$0x3FB2]  }
0x2f: {  	lr =	sadd.s32 s0, s3;
	s0 =	sld [smem:$0x3FA9]  }
0x30: {  	s3 =	sld [smem:$0x3FAC]  }
0x31: {  	[smem:$0x3FB5] =	sst s10  }
0x32: {  	s10 =	sld [smem:$0x3FB3];
	_ =	sdelay $0x3  }
0x33: {  	p0 =	seq.s32 s10, $0x1;
	s10 =	sld [smem:$0x3FB5];
	_ =	sdelay $0x3  }
0x34: {  	[smem:$0x3FB5] =	sst s10  }
0x35: {  	s10 =	sld [smem:$0x3FB4];
	_ =	sdelay $0x3  }
0x36: {  	p1 =	seq.s32 s10, $0x1;
	s10 =	sld [smem:$0x3FB5];
	_ =	sdelay $0x3  }
0x37: {  	[smem:$0x3FB5] =	sst s10  }
0x38: {  	s10 =	sld [smem:$0x3FB6]  }
0x39: {  	_ = 	snop;
	(pc) =	sbr.ind lr, $3  }
0x3a: {  	_ = 	snop  }
0x3b: {  	_ = 	snop  }
0x3c: {  	p2 =	seq.s32 s10, $0x1;
	s10 =	sld [smem:$0x3FB5]  }
0x3d: {  	_ =	shalt  }
0x3e: {  	_ =	shalt  }
0x3f: {  	_ =	shalt  }
0x40: {  	_ =	shalt  }
0x41: {  	_ =	shalt  }
0x42: {  	_ =	shalt  }
0x43: {  	_ =	shalt  }
0x44: {  	_ =	shalt  }
0x45: {  	_ =	shalt  }
0x46: {  	_ =	shalt  }
0x47: {  	_ =	shalt  }
0x48: {  	_ =	shalt  }
0x49: {  	_ =	shalt  }
0x4a: {  	_ =	shalt  }
0x4b: {  	_ =	shalt  }
0x4c: {  	_ =	shalt  }
0x4d: {  	_ =	shalt  }
0x4e: {  	_ =	shalt  }
0x4f: {  	_ =	shalt  }
0x50: {  	_ =	shalt  }
0x51: {  	_ =	shalt  }
0x52: {  	_ =	shalt  }
0x53: {  	_ =	shalt  }
0x54: {  	_ =	shalt  }
0x55: {  	_ =	shalt  }
0x56: {  	_ =	shalt  }
0x57: {  	_ =	shalt  }
0x58: {  	_ =	shalt  }
0x59: {  	_ =	shalt  }
0x5a: {  	_ =	shalt  }
0x5b: {  	_ =	shalt  }
0x5c: {  	_ =	shalt  }
0x5d: {  	_ =	shalt  }
0x5e: {  	_ =	shalt  }
0x5f: {  	_ =	shalt  }
0x60: {  	_ =	shalt  }
0x61: {  	_ =	shalt  }
0x62: {  	_ =	shalt  }
0x63: {  	_ =	shalt  }
0x64: {  	_ =	shalt  }
0x65: {  	_ =	shalt  }
0x66: {  	_ =	shalt  }
0x67: {  	_ =	shalt  }
0x68: {  	_ =	shalt  }
0x69: {  	_ =	shalt  }
0x6a: {  	_ =	shalt  }
0x6b: {  	_ =	shalt  }
0x6c: {  	_ =	shalt  }
0x6d: {  	_ =	shalt  }
0x6e: {  	_ =	shalt  }
0x6f: {  	_ =	shalt  }
0x70: {  	_ =	shalt  }
0x71: {  	_ =	shalt  }
0x72: {  	_ =	shalt  }
0x73: {  	_ =	shalt  }
0x74: {  	_ =	shalt  }
0x75: {  	_ =	shalt  }
0x76: {  	_ =	shalt  }
0x77: {  	_ =	shalt  }
0x78: {  	_ =	shalt  }
0x79: {  	_ =	shalt  }
0x7a: {  	_ =	shalt  }
0x7b: {  	_ =	shalt  }
0x7c: {  	_ =	shalt  }
0x7d: {  	_ =	shalt  }
0x7e: {  	_ =	shalt  }
0x7f: {  	_ =	shalt  }
0x80: {  	_ =	shalt  }
0x81: {  	_ =	shalt  }
0x82: {  	_ =	shalt  }
0x83: {  	_ =	shalt  }
0x84: {  	_ =	shalt  }
0x85: {  	_ =	shalt  }
0x86: {  	_ =	shalt  }
0x87: {  	_ =	shalt  }
.Lfunc_end0:
.L_simem_size_0:
called_computation_lowered:
.L_overlay_start_0:
0x88: {  	s2 =	sld [smem:$0x3FD9]  }
0x89: {  	s3 =	sld [smem:$0x3FFE];
	_ =	sdelay $0x1  }
0x8a: {  	s1 =	srdreg.scid  }
0x8b: {  	s0 =	sand.u32 $0x1, s1  }
0x8c: {  	s15 =	sshll.u32 s0, $0xA;
	s2 =	sadd.s32 s3, s2  }
0x8d: {  	s2 =	sadd.s32 s2, s15  }
0x8e: {  	[smem:$0x3FC1] =	sst s2  }
0x8f: {  	_ = 	snop  }
0x90: {  	s2 =	sld [smem:$0x3FC9]  }
0x91: {  	s16 =	sld [smem:$0x3FC8]  }
0x92: {  	s4 =	sld [smem:$0x3FD0]  }
0x93: {  	s5 =	sld [smem:$0x3FC7]  }
0x94: {  	s6 =	sld [smem:$0x3FC6]  }
0x95: {  	s8 =	simm.s32 $0xA;
	s9 =	simm.s32 $0x10;
	s7 =	sld [smem:$0x3FC5]  }
0x96: {  	[smem:s9], [sflag:s8] =	dma.local [hbm:s4], $0x1  }
0x97: {  	_ =	swait.eq [sflag:s8], $0x1  }
0x98: {  	[sflag:s8] =	ssyncset.done $0x0  }
0x99: {  	s17 =	sld [smem:$0x10];
	[sflag:s8] =	ssyncadd.s32 $0xFFFFFFFF  }
0x9a: {  	s18 =	sld [smem:$0x11];
	(tm) =	ssettm $0x1  }
0x9b: {  	s19 =	sld [smem:$0x3FFB];
	_ =	sdelay $0x3  }
0x9c: {  	_ =	strace s19  }
0x9d: {  	s9 =	sld [smem:$0x3FFC];
	_ =	sdelay $0x3  }
0x9e: {  	_ =	strace s9  }
0x9f: {  	s9 =	sld [smem:$0x3FFD];
	_ =	sdelay $0x3  }
0xa0: {  	_ =	strace s9  }
0xa1: {  	_ =	strace $0x8FFFFFFF  }
0xa2: {  	s20 =	sld [smem:$0x3FDB];
	_ =	sdelay $0x1  }
0xa3: {  	s10 =	simm.s32 $_scs_section_size  }
0xa4: {  	s11 =	simm.s32 $_size__tile_overlayer_lowered;
	s12 =	simm.s32 $_tile_overlayer_lowered  }
0xa5: {  	s23 =	simm.s32 $0x1BFF;
	s22 =	sshll.u32 s12, $0x1;
	s9 =	sadd.s32 s10, s20  }
0xa6: {  	s13 =	simm.s32 $0x0;
	s21 =	sshll.u32 s11, $0x1;
	s11 =	sadd.s32 s22, s9  }
0xa7: {  	[timem:s13], [sflag:s23] =	dma.local [hbm:s11], s21  }
0xa8: {  	_ =	swait.ge [sflag:s23], s21  }
0xa9: {  	s10 =	ssub.s32 $0x0, s21;
	[sflag:s23] =	ssyncset.done $0x0  }
0xaa: {  	[sflag:s23] =	ssyncadd.s32 s10;
	_ =	sdelay $0x1  }
0xab: {  	s24 =	simm.s32 $0x1B8B  }
0xac: {  	_ =	swait.ge [sflag:s24], $0x1  }
0xad: {  	[sflag:s24] =	ssyncset.done $0x0  }
0xae: {  	s25 =	simm.s32 $0x1B8E;
	[sflag:s24] =	ssyncadd.s32 $0xFFFFFFFF  }
0xaf: {  	s26 =	simm.s32 $execute0_lowered;
	[smem:$0x3FD2] =	sst s25  }
0xb0: {  	s10 =	sshll.u32 s26, $0x1;
	_ =	strace $0x80000046;
	[dreg:$0x1] =	wrdreg $0xFFFFFFFF  }
0xb1: {  	s28 =	simm.s32 $_size_execute0_lowered;
	s9 =	sadd.s32 s9, s10;
	[dreg:$0x0] =	wrdreg $0x0  }
0xb2: {  	s10 =	sshll.u32 s28, $0x1;
	[dreg:$0x2] =	wrdreg s9  }
0xb3: {  	[dreg:$0x3] =	wrdreg s10  }
0xb4: {  	[dreg:$0x4] =	wrdreg $0xC0  }
0xb5: {  	_ =	task [dreg:s13], $0x5FFFF  }
0xb6: {  	[dreg:$0x1] =	wrdreg $0xFFFFFFFF  }
0xb7: {  	[dreg:$0x0] =	wrdreg $0x60  }
0xb8: {  	[dreg:$0x2] =	wrdreg s2  }
0xb9: {  	[dreg:$0x3] =	wrdreg s16  }
0xba: {  	[dreg:$0x4] =	wrdreg s5  }
0xbb: {  	[dreg:$0x5] =	wrdreg s6  }
0xbc: {  	[dreg:$0x6] =	wrdreg s7  }
0xbd: {  	[dreg:$0x7] =	wrdreg s17  }
0xbe: {  	[dreg:$0x8] =	wrdreg s18  }
0xbf: {  	[dreg:$0x9] =	wrdreg $0x0  }
0xc0: {  	[dreg:$0xa] =	wrdreg $0xC380  }
0xc1: {  	[dreg:$0xb] =	wrdreg $0x18700  }
0xc2: {  	[dreg:$0xc] =	wrdreg $0x24A80  }
0xc3: {  	[dreg:$0xd] =	wrdreg $0x30E00  }
0xc4: {  	[dreg:$0xe] =	wrdreg $0x3D180  }
0xc5: {  	[dreg:$0xf] =	wrdreg $0x9  }
0xc6: {  	_ =	task.clear_ibuf [dreg:s13], $0x10FFFF;
	_ =	strace $0x90000046  }
0xc7: {  	s29 =	simm.s32 $0x9;
	_ =	strace $0x80000048  }
0xc8: {  	_ =	swait.ge [sflag:s29], $0x1  }
0xc9: {  	[sflag:s29] =	ssyncadd.s32 $0xFFFFFFFF  }
0xca: {  	_ =	strace $0x90000048  }
0xcb: {  	_ =	sfence  }
0xcc: {  	s30 =	sld [smem:$0x0];
	_ =	sdelay $0x2  }
0xcd: {  	s31 =	sshll.u32 s1, $0xD;
	s1 =	sshrl.u32 s1, $0x2  }
0xce: {  	s3 =	sand.u32 $0x4000, s31;
	s1 =	sadd.s32 s1, s30  }
0xcf: {  	s0 =	sor.u32 s3, s0;
	s1 =	sshll.u32 s1, $0x11  }
0xd0: {  	s0 =	sor.u32 s1, s0  }
0xd1: {  	s0 =	sadd.s32 $0x8F2B, s0  }
0xd2: {  	[sflag:s0] =	ssyncadd.remote.s32 $0x1  }
0xd3: {  	_ =	sfence.sel $0xFFFF  }
0xd4: {  	[dreg:$0x0] =	wrdreg $0xFFFFFFFF;
	(pc) =	sbr.abs _section_cstart, $3  }
0xd5: {  	[dreg:$0x1] =	wrdreg $0xFFFFFFFF  }
0xd6: {  	_ =	task.clear_ibuf [dreg:s13], $0x2FFFF;
	_ =	strace $0x9FFFFFFF  }
0xd7: {  	(tm) =	ssettm $0x7FFFFFFF  }
tec
execute0_lowered:
.L_overlay_start_1:
0x0: {  	(tag) =	ssettag $0x1  }
0x1: {  	s1 =	rddreg [dreg:$0x0]  }
0x2: {  	s7 =	rddreg [dreg:$0x1]  }
0x3: {  	s9 =	rddreg [dreg:$0x2]  }
0x4: {  	s10 =	rddreg [dreg:$0x3]  }
0x5: {  	s0 =	rddreg [dreg:$0x4]  }
0x6: {  	s11 =	rddreg [dreg:$0x5]  }
0x7: {  	s12 =	rddreg [dreg:$0x6]  }
0x8: {  	s2 =	rddreg [dreg:$0x7]  }
0x9: {  	s3 =	rddreg [dreg:$0x8]  }
0xa: {  	s4 =	rddreg [dreg:$0x9]  }
0xb: {  	s5 =	rddreg [dreg:$0xa]  }
0xc: {  	s6 =	rddreg [dreg:$0xb]  }
0xd: {  	s8 =	rddreg [dreg:$0xc];
	s13 =	srdreg.scid;
	s19 =	simm.s32 $0x0  }
0xe: {  	s18 =	stileid.u32;
	s13 =	sand.u32 $0x1, s13;
	[smem:$0x7FF] =	sst s19  }
0xf: {  	s15 =	smul.u32 $0xC38, s18;
	s14 =	ssub.s32 $0x2, s13;
	_ =	strace $0x80000047  }
0x10: {  	s17 =	sshll.u32 s13, $0x4;
	s22 =	smul.u32 $0x24A80, s13;
	s13 =	simm.s32 $0xA00  }
0x11: {  	s16 =	sshrl.u32 s14, $0x1;
	s29 =	sor.u32 s18, s17;
	s31 =	sadd.s32 s15, s2  }
0x12: {  	s30 =	sshrl.u32 s15, $0x3;
	s20 =	sadd.s32 s15, s3;
	[dreg:$0xf] =	wrdreg s31  }
0x13: {  	s23 =	sadd.s32 s15, s4;
	s14 =	ssub.s32 s14, s16;
	[dreg:$0x11] =	wrdreg s20  }
0x14: {  	s1 =	sadd.s32 s1, s30;
	s18 =	sadd.s32 s7, s30;
	[dreg:$0x13] =	wrdreg s23  }
0x15: {  	s21 =	sadd.s32 s9, s30;
	s24 =	sadd.s32 s10, s30;
	[dreg:$0xe] =	wrdreg s1  }
0x16: {  	s25 =	smul.u32 $0xA00, s29;
	s9 =	sadd.s32 s15, s5;
	[dreg:$0x10] =	wrdreg s18  }
0x17: {  	s10 =	sadd.s32 s15, s6;
	s26 =	sshll.u32 s29, $0x1;
	[dreg:$0x12] =	wrdreg s21  }
0x18: {  	s23 =	sor.u32 $0x20, s29;
	s20 =	simm.s32 $0x2;
	[dreg:$0x14] =	wrdreg s24  }
0x19: {  	s1 =	sadd.s32 s15, s22;
	s15 =	sadd.s32 s15, s8;
	[dreg:$0x15] =	wrdreg s9  }
0x1a: {  	s24 =	ssub.s32 $0x4E2, s29;
	s28 =	smax.u32 s14, $0x1;
	[dreg:$0x16] =	wrdreg s10  }
0x1b: {  	s7 =	sshrl.u32 s25, $0x3;
	s1 =	sshrl.u32 s1, $0x3;
	[dreg:$0x1b] =	wrdreg s28  }
0x1c: {  	[dreg:$0x17] =	wrdreg s15;
	s11 =	sadd.s32 s11, s1;
	s1 =	sadd.s32 s12, s26  }
0x1d: {  	s14 =	simm.s32 $0x1;
	s7 =	sadd.s32 s0, s7;
	[dreg:$0x1a] =	wrdreg s1  }
.Ltmp0:
0x1e: {  	s25 =	sor.u32 $0x40, s29;
	[dreg:$0x18] =	wrdreg s7;
	(pc) =	sbr.rel .LBB2_1-.Ltmp0, $4  }
0x1f: {  	s26 =	sor.u32 $0x60, s29;
	s29 =	sadd.s32 $0x61A80, s7;
	[dreg:$0x19] =	wrdreg s11  }
0x20: {  	s22 =	simm.s32 $0x3;
	s30 =	sadd.s32 $0x1870, s11;
	[dreg:$0x1c] =	wrdreg s29  }
0x21: {  	s12 =	simm.s32 $0x0;
	s31 =	sadd.s32 $0x30E0, s11;
	[dreg:$0x1d] =	wrdreg s30  }
0x22: {  	v0 =	vimm.f32 $0.0e+00;
	s11 =	simm.s32 $0x1EDD0;
	s7 =	simm.s32 $0x8;
	[dreg:$0x1e] =	wrdreg s31  }
.LBB2_15:
0x23: {  	s1 =	simm.s32 $0x4  }
0x24: {  	_ =	swait.ge [sflag:s1], $0xA00  }
0x25: {  	[sflag:s1] =	ssyncset.done $0x0  }
0x26: {  	[sflag:s1] =	ssyncadd.s32 $0xFFFFF600  }
0x27: {  	_ =	swait.ge [sflag:s1], $0xA00  }
0x28: {  	[sflag:s1] =	ssyncset.done $0x0  }
0x29: {  	[sflag:s1] =	ssyncadd.s32 $0xFFFFF600  }
0x2a: {  	_ =	swait.ge [sflag:s1], $0xA00  }
0x2b: {  	[sflag:s1] =	ssyncset.done $0x0  }
0x2c: {  	[sflag:s1] =	ssyncadd.s32 $0xFFFFF600  }
0x2d: {  	_ =	swait.ge [sflag:s1], $0xA00  }
0x2e: {  	[sflag:s1] =	ssyncset.done $0x0  }
0x2f: {  	[sflag:s1] =	ssyncadd.s32 $0xFFFFF600  }
0x30: {  	_ =	swait.ge [sflag:s1], $0xA00  }
0x31: {  	[sflag:s1] =	ssyncset.done $0x0  }
0x32: {  	[sflag:s1] =	ssyncadd.s32 $0xFFFFF600  }
0x33: {  	_ =	swait.ge [sflag:s1], $0xA00  }
0x34: {  	[sflag:s1] =	ssyncset.done $0x0  }
0x35: {  	s16 =	simm.s32 $0x5;
	[sflag:s1] =	ssyncadd.s32 $0xFFFFF600  }
0x36: {  	_ =	swait.ge [sflag:s16], $0xA00  }
0x37: {  	[sflag:s16] =	ssyncset.done $0x0  }
0x38: {  	[sflag:s16] =	ssyncadd.s32 $0xFFFFF600  }
0x39: {  	_ =	swait.ge [sflag:s16], $0xA00  }
0x3a: {  	[sflag:s16] =	ssyncset.done $0x0  }
0x3b: {  	[sflag:s16] =	ssyncadd.s32 $0xFFFFF600  }
0x3c: {  	_ =	swait.ge [sflag:s16], $0xA00  }
0x3d: {  	[sflag:s16] =	ssyncset.done $0x0  }
0x3e: {  	[sflag:s16] =	ssyncadd.s32 $0xFFFFF600  }
0x3f: {  	_ =	swait.ge [sflag:s16], $0xA00  }
0x40: {  	[sflag:s16] =	ssyncset.done $0x0  }
0x41: {  	[sflag:s16] =	ssyncadd.s32 $0xFFFFF600  }
0x42: {  	_ =	swait.ge [sflag:s16], $0xA00  }
0x43: {  	[sflag:s16] =	ssyncset.done $0x0  }
0x44: {  	[sflag:s16] =	ssyncadd.s32 $0xFFFFF600  }
0x45: {  	_ =	swait.ge [sflag:s16], $0xA00  }
0x46: {  	[sflag:s16] =	ssyncset.done $0x0  }
0x47: {  	s17 =	simm.s32 $0x6;
	[sflag:s16] =	ssyncadd.s32 $0xFFFFF600  }
0x48: {  	_ =	swait.ge [sflag:s17], $0xA00  }
0x49: {  	[sflag:s17] =	ssyncset.done $0x0  }
0x4a: {  	[sflag:s17] =	ssyncadd.s32 $0xFFFFF600  }
0x4b: {  	_ =	swait.ge [sflag:s17], $0xA00  }
0x4c: {  	[sflag:s17] =	ssyncset.done $0x0  }
0x4d: {  	[sflag:s17] =	ssyncadd.s32 $0xFFFFF600  }
0x4e: {  	_ =	swait.ge [sflag:s17], $0xA00  }
0x4f: {  	[sflag:s17] =	ssyncset.done $0x0  }
0x50: {  	[sflag:s17] =	ssyncadd.s32 $0xFFFFF600  }
0x51: {  	_ =	swait.ge [sflag:s17], $0xA00  }
0x52: {  	[sflag:s17] =	ssyncset.done $0x0  }
0x53: {  	[sflag:s17] =	ssyncadd.s32 $0xFFFFF600  }
0x54: {  	_ =	swait.ge [sflag:s17], $0xA00  }
0x55: {  	[sflag:s17] =	ssyncset.done $0x0  }
0x56: {  	[sflag:s17] =	ssyncadd.s32 $0xFFFFF600  }
0x57: {  	_ =	swait.ge [sflag:s17], $0xA00  }
0x58: {  	[sflag:s17] =	ssyncset.done $0x0  }
0x59: {  	[sflag:s17] =	ssyncadd.s32 $0xFFFFF600  }
0x5a: {  	[bflag:$0x0] =	sbarrier.arrive $0xFFFF  }
0x5b: {  	s11 =	simm.s32 $0x1EDD0;
	s9 =	rddreg [dreg:$0x15]  }
0x5c: {  	[tilespmem:s11], [sflag:$0x8] =	stream.linear.gather [spmem:s9], $0xC38, $0x38;
	[tilespmem:$0x1FA50] =	vst v63  }
0x5d: {  	_ =	swait.ge [sflag:s7], $0xC38  }
0x5e: {  	[sflag:s7] =	ssyncset.done $0x0  }
0x5f: {  	s19 =	simm.s32 $0x0;
	s18 =	rddreg [dreg:$0x19];
	[sflag:s7] =	ssyncadd.s32 $0xFFFFF3C8  }
0x60: {  	[hbm4b:s18+s19] =	stream.linear.scatter [tilespmem:s11], [sflag:$0x8], $0xC38, $0x38;
	[tilespmem:$0x1FA50] =	vst v63  }
0x61: {  	_ =	swait.ge [sflag:s7], $0xC38  }
0x62: {  	[sflag:s7] =	ssyncset.done $0x0  }
0x63: {  	s10 =	rddreg [dreg:$0x16];
	[sflag:s7] =	ssyncadd.s32 $0xFFFFF3C8  }
0x64: {  	[tilespmem:s11], [sflag:$0x8] =	stream.linear.gather [spmem:s10], $0xC38, $0x38;
	[tilespmem:$0x1FA50] =	vst v63  }
0x65: {  	_ =	swait.ge [sflag:s7], $0xC38  }
0x66: {  	[sflag:s7] =	ssyncset.done $0x0  }
0x67: {  	s21 =	rddreg [dreg:$0x1d];
	[sflag:s7] =	ssyncadd.s32 $0xFFFFF3C8  }
0x68: {  	[hbm4b:s21+s19] =	stream.linear.scatter [tilespmem:s11], [sflag:$0x8], $0xC38, $0x38;
	[tilespmem:$0x1FA50] =	vst v63  }
0x69: {  	_ =	swait.ge [sflag:s7], $0xC38  }
0x6a: {  	[sflag:s7] =	ssyncset.done $0x0  }
0x6b: {  	s15 =	rddreg [dreg:$0x17];
	[sflag:s7] =	ssyncadd.s32 $0xFFFFF3C8  }
0x6c: {  	[tilespmem:s11], [sflag:$0x8] =	stream.linear.gather [spmem:s15], $0xC38, $0x38;
	[tilespmem:$0x1FA50] =	vst v63  }
0x6d: {  	_ =	swait.ge [sflag:s7], $0xC38  }
0x6e: {  	[sflag:s7] =	ssyncset.done $0x0  }
0x6f: {  	s28 =	rddreg [dreg:$0x1e];
	[sflag:s7] =	ssyncadd.s32 $0xFFFFF3C8  }
0x70: {  	[hbm4b:s28+s19] =	stream.linear.scatter [tilespmem:s11], [sflag:$0x8], $0xC38, $0x38;
	[tilespmem:$0x1FA50] =	vst v63  }
0x71: {  	_ =	swait.ge [sflag:s7], $0xC38  }
0x72: {  	[sflag:s7] =	ssyncset.done $0x0  }
0x73: {  	s12 =	simm.s32 $0x1ED50;
	s29 =	rddreg [dreg:$0x1a];
	[sflag:s7] =	ssyncadd.s32 $0xFFFFF3C8  }
0x74: {  	[hbm4b:s29+s19] =	stream.linear.scatter [tilespmem:s12], [sflag:$0x8], $0x10, $0x38;
	[tilespmem:$0x1FA50] =	vst v63  }
0x75: {  	_ =	swait.ge [sflag:s7], $0x10  }
0x76: {  	s30 =	rddreg [dreg:$0x1f]  }
0x77: {  	s31 =	rddreg [dreg:$0x1b];
	s12 =	sadd.s32 $0x1, s30  }
0x78: {  	p0 =	sne.s32 s12, s31  }
.Ltmp1:
0x79: {  	_ = 	snop;
	(pc) =	sbr.rel @!p0 .LBB2_16-.Ltmp1, $3  }
0x7a: {  	_ =	sdelay $0x1  }
0x7b: {  	[sflag:s7] =	ssyncset.done $0x0  }
0x7c: {  	[sflag:s7] =	ssyncadd.s32 $0xFFFFFFF0  }
.LBB2_1:
0x7d: {  	[dreg:$0x1f] =	wrdreg s12  }
0x7e: {  	s1 =	rddreg [dreg:$0xe]  }
0x7f: {  	[tilespmem:s11], [sflag:$0x8] =	stream.linear.gather [hbm4b:s1+s19], $0xC38, $0x38;
	[tilespmem:$0x1FA50] =	vst v63  }
0x80: {  	_ =	swait.ge [sflag:s7], $0xC38  }
0x81: {  	[sflag:s7] =	ssyncset.done $0x0  }
0x82: {  	s17 =	rddreg [dreg:$0xf];
	[sflag:s7] =	ssyncadd.s32 $0xFFFFF3C8  }
0x83: {  	[spmem:s17] =	stream.linear.scatter [tilespmem:s11], [sflag:$0x8], $0xC38, $0x38;
	[tilespmem:$0x1FA50] =	vst v63  }
0x84: {  	_ =	swait.ge [sflag:s7], $0xC38  }
0x85: {  	[sflag:s7] =	ssyncset.done $0x0  }
0x86: {  	s18 =	rddreg [dreg:$0x10];
	[sflag:s7] =	ssyncadd.s32 $0xFFFFF3C8  }
0x87: {  	[tilespmem:s11], [sflag:$0x8] =	stream.linear.gather [hbm4b:s18+s19], $0xC38, $0x38;
	[tilespmem:$0x1FA50] =	vst v63  }
0x88: {  	_ =	swait.ge [sflag:s7], $0xC38  }
0x89: {  	[sflag:s7] =	ssyncset.done $0x0  }
0x8a: {  	s21 =	rddreg [dreg:$0x11];
	[sflag:s7] =	ssyncadd.s32 $0xFFFFF3C8  }
0x8b: {  	[spmem:s21] =	stream.linear.scatter [tilespmem:s11], [sflag:$0x8], $0xC38, $0x38;
	[tilespmem:$0x1FA50] =	vst v63  }
0x8c: {  	_ =	swait.ge [sflag:s7], $0xC38  }
0x8d: {  	[sflag:s7] =	ssyncset.done $0x0  }
0x8e: {  	s28 =	rddreg [dreg:$0x12];
	[sflag:s7] =	ssyncadd.s32 $0xFFFFF3C8  }
0x8f: {  	[tilespmem:s11], [sflag:$0x8] =	stream.linear.gather [hbm4b:s28+s19], $0xC38, $0x38;
	[tilespmem:$0x1FA50] =	vst v63  }
0x90: {  	_ =	swait.ge [sflag:s7], $0xC38  }
0x91: {  	[sflag:s7] =	ssyncset.done $0x0  }
0x92: {  	s29 =	rddreg [dreg:$0x13];
	[sflag:s7] =	ssyncadd.s32 $0xFFFFF3C8  }
0x93: {  	[spmem:s29] =	stream.linear.scatter [tilespmem:s11], [sflag:$0x8], $0xC38, $0x38;
	[tilespmem:$0x1FA50] =	vst v63  }
0x94: {  	_ =	swait.ge [sflag:s7], $0xC38  }
0x95: {  	[sflag:s7] =	ssyncset.done $0x0  }
0x96: {  	s31 =	rddreg [dreg:$0x14];
	[sflag:s7] =	ssyncadd.s32 $0xFFFFF3C8  }
0x97: {  	[tilespmem:s11], [sflag:$0x8] =	stream.linear.gather [hbm4b:s31+s19], $0xC38, $0x38;
	[tilespmem:$0x1FA50] =	vst v63  }
0x98: {  	_ =	swait.ge [sflag:s7], $0xC38  }
0x99: {  	[sflag:s7] =	ssyncset.done $0x0  }
0x9a: {  	[sflag:s7] =	ssyncadd.s32 $0xFFFFF3C8  }
0x9b: {  	[spmem:s9] =	stream.linear.scatter [tilespmem:s11], [sflag:$0x8], $0xC38, $0x38;
	[tilespmem:$0x1FA50] =	vst v63  }
0x9c: {  	_ =	swait.ge [sflag:s7], $0xC38  }
0x9d: {  	[sflag:s7] =	ssyncset.done $0x0  }
0x9e: {  	[sflag:s7] =	ssyncadd.s32 $0xFFFFF3C8  }
0x9f: {  	[tilespmem:s11], [sflag:$0x8] =	stream.linear.gather [hbm4b:s31+s19], $0xC38, $0x38;
	[tilespmem:$0x1FA50] =	vst v63  }
0xa0: {  	_ =	swait.ge [sflag:s7], $0xC38  }
0xa1: {  	[sflag:s7] =	ssyncset.done $0x0  }
0xa2: {  	[sflag:s7] =	ssyncadd.s32 $0xFFFFF3C8  }
0xa3: {  	[spmem:s10] =	stream.linear.scatter [tilespmem:s11], [sflag:$0x8], $0xC38, $0x38;
	[tilespmem:$0x1FA50] =	vst v63  }
0xa4: {  	_ =	swait.ge [sflag:s7], $0xC38  }
0xa5: {  	[sflag:s7] =	ssyncset.done $0x0  }
0xa6: {  	[sflag:s7] =	ssyncadd.s32 $0xFFFFF3C8  }
0xa7: {  	[tilespmem:s11], [sflag:$0x8] =	stream.linear.gather [hbm4b:s31+s19], $0xC38, $0x38;
	[tilespmem:$0x1FA50] =	vst v63  }
0xa8: {  	_ =	swait.ge [sflag:s7], $0xC38  }
0xa9: {  	[sflag:s7] =	ssyncset.done $0x0  }
0xaa: {  	[sflag:s7] =	ssyncadd.s32 $0xFFFFF3C8  }
0xab: {  	[spmem:s15] =	stream.linear.scatter [tilespmem:s11], [sflag:$0x8], $0xC38, $0x38;
	[tilespmem:$0x1FA50] =	vst v63  }
0xac: {  	_ =	swait.ge [sflag:s7], $0xC38  }
0xad: {  	[sflag:s7] =	ssyncset.done $0x0  }
0xae: {  	[sflag:s7] =	ssyncadd.s32 $0xFFFFF3C8  }
0xaf: {  	[tilespmem:$0x1ED50] =	vst v0  }
0xb0: {  	[bflag:$0x0] =	sbarrier.arrive $0xFFFF  }
0xb1: {  	s12 =	simm.s32 $0x4950;
	s11 =	rddreg [dreg:$0x18]  }
0xb2: {  	[tilespmem:s12], [sflag:$0x7] =	stream.linear.gather [hbm4b:s11+s19], $0xA00, $0x38;
	[tilespmem:$0x1FA50] =	vst v63  }
0xb3: {  	s16 =	simm.s32 $0x5350;
	s17 =	simm.s32 $0x7;
	s15 =	rddreg [dreg:$0x1c]  }
0xb4: {  	[tilespmem:s16], [sflag:$0x7] =	stream.linear.gather [hbm4b:s15+s19], $0xA00, $0x38;
	[tilespmem:$0x1FA50] =	vst v63  }
0xb5: {  	_ =	swait.ge [sflag:s17], $0xA00  }
0xb6: {  	[sflag:s17] =	ssyncset.done $0x0  }
0xb7: {  	[sflag:s17] =	ssyncadd.s32 $0xFFFFF600  }
0xb8: {  	_ =	swait.ge [sflag:s17], $0xA00  }
0xb9: {  	[sflag:s17] =	ssyncset.done $0x0  }
0xba: {  	s18 =	simm.s32 $0x8550;
	[sflag:s17] =	ssyncadd.s32 $0xFFFFF600  }
0xbb: {  	[tilespmem:s18], [sflag:$0x1] =	stream.indirect.gather [spmem:s2], $0x1, s12, s13, $0xb8;
	[tilespmem:$0x1FA50] =	vst v63  }
0xbc: {  	s19 =	simm.s32 $0x8F50  }
0xbd: {  	[tilespmem:s19], [sflag:$0x1] =	stream.indirect.gather [spmem:s3], $0x1, s12, s13, $0xb8;
	[tilespmem:$0x1FA50] =	vst v63  }
0xbe: {  	s21 =	simm.s32 $0x9950  }
0xbf: {  	[tilespmem:s21], [sflag:$0x1] =	stream.indirect.gather [spmem:s4], $0x1, s12, s13, $0xb8;
	[tilespmem:$0x1FA50] =	vst v63  }
0xc0: {  	s28 =	simm.s32 $0xA350  }
0xc1: {  	[tilespmem:s28], [sflag:$0x1] =	stream.indirect.gather [spmem:s2], $0x1, s16, s13, $0xb8;
	[tilespmem:$0x1FA50] =	vst v63  }
.Ltmp2:
0xc2: {  	_ = 	snop;
	(pc) =	sbr.rel .LBB2_2-.Ltmp2, $4  }
0xc3: {  	s29 =	simm.s32 $0xAD50  }
0xc4: {  	[tilespmem:s29], [sflag:$0x1] =	stream.indirect.gather [spmem:s3], $0x1, s16, s13, $0xb8;
	[tilespmem:$0x1FA50] =	vst v63  }
0xc5: {  	s30 =	simm.s32 $0x0;
	s31 =	simm.s32 $0xB750  }
0xc6: {  	[tilespmem:s31], [sflag:$0x1] =	stream.indirect.gather [spmem:s4], $0x1, s16, s13, $0xb8;
	[tilespmem:$0x1FA50] =	vst v63  }
.LBB2_14:
0xc7: {  	s30 =	sadd.s32 $0x1, s30  }
0xc8: {  	p0 =	sne.s32 s30, $0xE  }
.Ltmp3:
0xc9: {  	_ = 	snop;
	(pc) =	sbr.rel @!p0 .LBB2_15-.Ltmp3, $1  }
0xca: {  	_ =	sdelay $0x3  }
.LBB2_2:
0xcb: {  	s31 =	smul.u32 $0x60, s30;
	_ =	sdelay $0x1  }
0xcc: {  	s1 =	sadd.s32 s23, s31  }
0xcd: {  	p0 =	sgt.u32 s1, $0x4E1  }
0xce: {  	p1 =	seq.s32 @!p0 s30, $0x0  }
0xcf: {  	p1 =	por p1, p0  }
0xd0: {  	s9 =	simm.s32 @!p1 $0x5  }
0xd1: {  	_ =	swait.ge @!p1 [sflag:s9], $0xA00  }
0xd2: {  	[sflag:s9] =	ssyncset.done @!p1 $0x0  }
0xd3: {  	[sflag:s9] =	ssyncadd.s32 @!p1 $0xFFFFF600  }
0xd4: {  	_ =	swait.ge @!p1 [sflag:s9], $0xA00  }
0xd5: {  	[sflag:s9] =	ssyncset.done @!p1 $0x0  }
0xd6: {  	[sflag:s9] =	ssyncadd.s32 @!p1 $0xFFFFF600  }
0xd7: {  	_ =	swait.ge @!p1 [sflag:s9], $0xA00  }
0xd8: {  	[sflag:s9] =	ssyncset.done @!p1 $0x0  }
0xd9: {  	[sflag:s9] =	ssyncadd.s32 @!p1 $0xFFFFF600  }
0xda: {  	_ =	swait.ge @!p1 [sflag:s9], $0xA00  }
0xdb: {  	[sflag:s9] =	ssyncset.done @!p1 $0x0  }
0xdc: {  	[sflag:s9] =	ssyncadd.s32 @!p1 $0xFFFFF600  }
0xdd: {  	_ =	swait.ge @!p1 [sflag:s9], $0xA00  }
0xde: {  	[sflag:s9] =	ssyncset.done @!p1 $0x0  }
0xdf: {  	s1 =	smul.u32 @!p0 $0xA00, s1;
	[sflag:s9] =	ssyncadd.s32 @!p1 $0xFFFFF600  }
0xe0: {  	_ =	swait.ge @!p1 [sflag:s9], $0xA00  }
0xe1: {  	s10 =	simm.s32 @!p0 $0x5D50;
	s1 =	sshrl.u32 @!p0 s1, $0x3;
	[sflag:s9] =	ssyncset.done @!p1 $0x0  }
0xe2: {  	s1 =	sadd.s32 @!p0 s0, s1;
	[sflag:s9] =	ssyncadd.s32 @!p1 $0xFFFFF600;
	s9 =	simm.s32 @!p0 $0x0  }
0xe3: {  	[tilespmem:s10], [sflag:$0x7] =	stream.linear.gather @!p0 [hbm4b:s1+s9], $0xA00, $0x38;
	[tilespmem:$0x1FA50] =	vst v63  }
0xe4: {  	s11 =	simm.s32 @!p0 $0x6750;
	s1 =	sadd.s32 @!p0 $0x61A80, s1  }
0xe5: {  	[tilespmem:s11], [sflag:$0x7] =	stream.linear.gather @!p0 [hbm4b:s1+s9], $0xA00, $0x38;
	[tilespmem:$0x1FA50] =	vst v63  }
0xe6: {  	s1 =	simm.s32 @!p0 $0x7  }
0xe7: {  	_ =	swait.ge @!p0 [sflag:s1], $0xA00  }
0xe8: {  	[sflag:s1] =	ssyncset.done @!p0 $0x0  }
0xe9: {  	[sflag:s1] =	ssyncadd.s32 @!p0 $0xFFFFF600  }
0xea: {  	_ =	swait.ge @!p0 [sflag:s1], $0xA00  }
0xeb: {  	[sflag:s1] =	ssyncset.done @!p0 $0x0  }
0xec: {  	s9 =	simm.s32 @!p0 $0xC150;
	[sflag:s1] =	ssyncadd.s32 @!p0 $0xFFFFF600;
	s1 =	simm.s32 @!p0 $0xA00  }
0xed: {  	[tilespmem:s9], [sflag:$0x2] =	stream.indirect.gather @!p0 [spmem:s2], $0x1, s10, s1, $0xb8;
	[tilespmem:$0x1FA50] =	vst v63  }
0xee: {  	s9 =	simm.s32 @!p0 $0xCB50  }
0xef: {  	[tilespmem:s9], [sflag:$0x2] =	stream.indirect.gather @!p0 [spmem:s3], $0x1, s10, s1, $0xb8;
	[tilespmem:$0x1FA50] =	vst v63  }
0xf0: {  	s9 =	simm.s32 @!p0 $0xD550  }
0xf1: {  	[tilespmem:s9], [sflag:$0x2] =	stream.indirect.gather @!p0 [spmem:s4], $0x1, s10, s1, $0xb8;
	[tilespmem:$0x1FA50] =	vst v63  }
0xf2: {  	p1 =	sge.u32 s31, s24;
	s9 =	simm.s32 @!p0 $0xDF50  }
0xf3: {  	[tilespmem:s9], [sflag:$0x2] =	stream.indirect.gather @!p0 [spmem:s2], $0x1, s11, s1, $0xb8;
	[tilespmem:$0x1FA50] =	vst v63  }
.Ltmp4:
0xf4: {  	_ = 	snop;
	(pc) =	sbr.rel @p1 .LBB2_6-.Ltmp4, $4  }
0xf5: {  	s9 =	simm.s32 @!p0 $0xE950  }
0xf6: {  	[tilespmem:s9], [sflag:$0x2] =	stream.indirect.gather @!p0 [spmem:s3], $0x1, s11, s1, $0xb8;
	[tilespmem:$0x1FA50] =	vst v63  }
0xf7: {  	s9 =	simm.s32 @!p0 $0xF350  }
0xf8: {  	[tilespmem:s9], [sflag:$0x2] =	stream.indirect.gather @!p0 [spmem:s4], $0x1, s11, s1, $0xb8;
	[tilespmem:$0x1FA50] =	vst v63  }
0xf9: {  	_ =	swait.ge [sflag:s14], $0xA00  }
0xfa: {  	[sflag:s14] =	ssyncset.done $0x0  }
0xfb: {  	[sflag:s14] =	ssyncadd.s32 $0xFFFFF600  }
0xfc: {  	_ =	swait.ge [sflag:s14], $0xA00  }
0xfd: {  	[sflag:s14] =	ssyncset.done $0x0  }
0xfe: {  	[sflag:s14] =	ssyncadd.s32 $0xFFFFF600  }
0xff: {  	_ =	swait.ge [sflag:s14], $0xA00  }
0x100: {  	[sflag:s14] =	ssyncset.done $0x0  }
0x101: {  	[sflag:s14] =	ssyncadd.s32 $0xFFFFF600  }
0x102: {  	_ =	swait.ge [sflag:s14], $0xA00  }
0x103: {  	[sflag:s14] =	ssyncset.done $0x0  }
0x104: {  	[sflag:s14] =	ssyncadd.s32 $0xFFFFF600  }
0x105: {  	_ =	swait.ge [sflag:s14], $0xA00  }
0x106: {  	[sflag:s14] =	ssyncset.done $0x0  }
0x107: {  	[sflag:s14] =	ssyncadd.s32 $0xFFFFF600  }
0x108: {  	_ =	swait.ge [sflag:s14], $0xA00  }
0x109: {  	[sflag:s14] =	ssyncset.done $0x0  }
0x10a: {  	s1 =	simm.s32 $0xAD50;
	[sflag:s14] =	ssyncadd.s32 $0xFFFFF600  }
0x10b: {  	s9 =	simm.s32 $0x8F50;
	v1 =	vld [tilespmem:s1+$0x0]  }
0x10c: {  	s11 =	simm.s32 $0xA350;
	v2 =	vld [tilespmem:s9+$0x0]  }
0x10d: {  	s12 =	simm.s32 $0x8550;
	v3 =	vld [tilespmem:s11+$0x0]  }
0x10e: {  	s15 =	simm.s32 $0x9950;
	v4 =	vld [tilespmem:s12+$0x0]  }
0x10f: {  	s16 =	simm.s32 $0xB750;
	v5 =	vld [tilespmem:s15+$0x0]  }
0x110: {  	v6 =	vld [tilespmem:s16+$0x0];
	_ =	sdelay $0x2  }
0x111: {  	v1 =	vsub.f32 v1, v2;
	v2 =	vsub.f32 v3, v4;
	_ =	sdelay $0x1  }
0x112: {  	v3 =	vsub.f32 v6, v5;
	v4 =	vmul.f32 v2, v2;
	v58 =	vmul.f32 v1, v1;
	_ =	sdelay $0x1  }
0x113: {  	v59 =	vmul.f32 v3, v3;
	v4 =	vadd.f32 v58, v4;
	_ =	sdelay $0x1  }
0x114: {  	v4 =	vadd.f32 v59, v4;
	_ =	sdelay $0x1  }
0x115: {  	vm0 =	vgt.f32 v4, $0.0e+00;
	vm1 =	vlt.f32 v4, $6.250000000e+00  }
0x116: {  	vm0 =	vmand vm0, vm1  }
0x117: {  	v4 =	vnsel vm0, $0x3F800000, v4  }
0x118: {  	(erf) = vrcp.f32 v4;
	_ =	sdelay $0x8  }
0x119: {  	v4 =	vpop (erf)  }
0x11a: {  	v60 =	vmul.f32 v4, v4;
	_ =	sdelay $0x1  }
0x11b: {  	v5 =	vmul.f32 v60, v4;
	_ =	sdelay $0x1  }
0x11c: {  	v61 =	vmul.f32 v5, v5;
	_ =	sdelay $0x1  }
0x11d: {  	v7 =	vadd.f32 v61, v61;
	_ =	sdelay $0x1  }
0x11e: {  	v4 =	vmul.f32 $2.400000000e+01, v4;
	v7 =	vsub.f32 v7, v5;
	_ =	sdelay $0x1  }
0x11f: {  	v4 =	vmul.f32 v7, v4;
	_ =	sdelay $0x1  }
0x120: {  	v4 =	vnsel vm0, $0x0, v4  }
0x121: {  	v2 =	vmul.f32 v4, v2  }
0x122: {  	s18 =	simm.s32 $0x14D50;
	s17 =	simm.s32 $0x15750;
	v5 =	vsub.f32 v61, v5;
	v1 =	vmul.f32 v4, v1  }
0x123: {  	s19 =	simm.s32 $0x14350;
	s10 =	simm.s32 $0x13950;
	s21 =	simm.s32 $0x16150;
	v3 =	vmul.f32 v4, v3;
	[tilespmem:s17+$0x0] =	vst v2  }
0x124: {  	s29 =	simm.s32 $0x8560;
	s28 =	simm.s32 $0xB760;
	s11 =	simm.s32 $0x16B50;
	v62 =	vmul.f32 $4.000000000e+00, v5;
	v2 =	vsub.f32 $0.0e+00, v2;
	[tilespmem:s21+$0x0] =	vst v1  }
0x125: {  	s12 =	simm.s32 $0x0;
	s1 =	simm.s32 $0xA360;
	s9 =	simm.s32 $0x8F60;
	v63 =	vsub.f32 $0.0e+00, v1;
	[tilespmem:s11+$0x0] =	vst v3  }
0x126: {  	s15 =	simm.s32 $0xAD60;
	s16 =	simm.s32 $0x9960;
	v4 =	vnsel vm0, $0x0, v62;
	s17 =	simm.s32 $0x13960;
	v1 =	vimm.f32 $0.0e+00;
	[tilespmem:s10+$0x0] =	vst v2;
	v2 =	vsub.f32 $0.0e+00, v3  }
0x127: {  	s21 =	simm.s32 $0x15760;
	v1 =	vadd.f32 v4, v1;
	s11 =	simm.s32 $0x16160;
	s10 =	simm.s32 $0x16B60;
	[tilespmem:s19+$0x0] =	vst v63  }
.LBB2_4:
0x128: {  	s12 =	sadd.s32 $0x10, s12;
	[tilespmem:s18+$0x0] =	vst v2;
	s18 =	sadd.s32 $0x10, s18;
	s19 =	sadd.s32 $0x10, s19  }
0x129: {  	v2 =	vld [tilespmem:s15+$0x0];
	p1 =	slt.u32 s12, $0x9F0  }
0x12a: {  	v3 =	vld [tilespmem:s9+$0x0]  }
0x12b: {  	v4 =	vld [tilespmem:s1+$0x0]  }
0x12c: {  	v5 =	vld [tilespmem:s29+$0x0]  }
0x12d: {  	v6 =	vld [tilespmem:s16+$0x0]  }
0x12e: {  	v7 =	vld [tilespmem:s28+$0x0]  }
0x12f: {  	v2 =	vsub.f32 v2, v3;
	_ =	sdelay $0x1  }
0x130: {  	v3 =	vsub.f32 v4, v5;
	_ =	sdelay $0x1  }
0x131: {  	v4 =	vsub.f32 v7, v6;
	v5 =	vmul.f32 v3, v3;
	v6 =	vmul.f32 v2, v2;
	_ =	sdelay $0x1  }
0x132: {  	v5 =	vadd.f32 v6, v5;
	v6 =	vmul.f32 v4, v4;
	_ =	sdelay $0x1  }
0x133: {  	v5 =	vadd.f32 v6, v5;
	_ =	sdelay $0x1  }
0x134: {  	vm0 =	vgt.f32 v5, $0.0e+00;
	vm1 =	vlt.f32 v5, $6.250000000e+00  }
0x135: {  	vm0 =	vmand vm0, vm1  }
0x136: {  	v5 =	vnsel vm0, $0x3F800000, v5  }
0x137: {  	(erf) = vrcp.f32 v5;
	_ =	sdelay $0x8  }
0x138: {  	v5 =	vpop (erf)  }
0x139: {  	v6 =	vmul.f32 v5, v5;
	_ =	sdelay $0x1  }
0x13a: {  	v6 =	vmul.f32 v6, v5;
	_ =	sdelay $0x1  }
0x13b: {  	v7 =	vmul.f32 v6, v6;
	_ =	sdelay $0x1  }
0x13c: {  	v8 =	vsub.f32 v7, v6;
	v7 =	vadd.f32 v7, v7;
	_ =	sdelay $0x1  }
0x13d: {  	v5 =	vmul.f32 $2.400000000e+01, v5;
	v8 =	vmul.f32 $4.000000000e+00, v8;
	v6 =	vsub.f32 v7, v6;
	_ =	sdelay $0x1  }
0x13e: {  	v7 =	vnsel vm0, $0x0, v8;
	v5 =	vmul.f32 v6, v5  }
0x13f: {  	v1 =	vadd.f32 v7, v1  }
0x140: {  	v5 =	vnsel vm0, $0x0, v5  }
0x141: {  	v3 =	vmul.f32 v5, v3;
	v2 =	vmul.f32 v5, v2;
	_ =	sdelay $0x1  }
.Ltmp5:
0x142: {  	v4 =	vmul.f32 v5, v4;
	[tilespmem:s21+$0x0] =	vst v3;
	(pc) =	sbr.rel @p1 .LBB2_4-.Ltmp5, $4  }
0x143: {  	s1 =	sadd.s32 $0x10, s1;
	v3 =	vsub.f32 $0.0e+00, v3;
	[tilespmem:s11+$0x0] =	vst v2  }
0x144: {  	s15 =	sadd.s32 $0x10, s15;
	s9 =	sadd.s32 $0x10, s9;
	s29 =	sadd.s32 $0x10, s29;
	v5 =	vsub.f32 $0.0e+00, v2;
	[tilespmem:s10+$0x0] =	vst v4  }
0x145: {  	s16 =	sadd.s32 $0x10, s16;
	s28 =	sadd.s32 $0x10, s28;
	s21 =	sadd.s32 $0x10, s21;
	v2 =	vsub.f32 $0.0e+00, v4;
	[tilespmem:s17+$0x0] =	vst v3  }
0x146: {  	s11 =	sadd.s32 $0x10, s11;
	s10 =	sadd.s32 $0x10, s10;
	s17 =	sadd.s32 $0x10, s17;
	[tilespmem:s19+$0x0] =	vst v5  }
0x147: {  	[tilespmem:s18+$0x0] =	vst v2  }
0x148: {  	v2 =	vld [tilespmem:$0x1ED50];
	_ =	sdelay $0x4  }
0x149: {  	v1 =	vadd.f32 v2, v1;
	_ =	sdelay $0x1  }
0x14a: {  	s1 =	simm.s32 $0x4950;
	s9 =	simm.s32 $0x13950;
	[tilespmem:$0x1ED50] =	vst v1  }
0x14b: {  	[spmem:s5] =	stream.indirect.scatter.add.f32 [tilespmem:s9], [sflag:$0x4], $0x1, s1, s13, $0xb8;
	[tilespmem:$0x1FA50] =	vst v63  }
0x14c: {  	s17 =	simm.s32 $0x14350  }
0x14d: {  	[spmem:s6] =	stream.indirect.scatter.add.f32 [tilespmem:s17], [sflag:$0x4], $0x1, s1, s13, $0xb8;
	[tilespmem:$0x1FA50] =	vst v63  }
0x14e: {  	s18 =	simm.s32 $0x14D50  }
0x14f: {  	[spmem:s8] =	stream.indirect.scatter.add.f32 [tilespmem:s18], [sflag:$0x4], $0x1, s1, s13, $0xb8;
	[tilespmem:$0x1FA50] =	vst v63  }
0x150: {  	s19 =	simm.s32 $0x5350;
	s21 =	simm.s32 $0x15750  }
0x151: {  	[spmem:s5] =	stream.indirect.scatter.add.f32 [tilespmem:s21], [sflag:$0x4], $0x1, s19, s13, $0xb8;
	[tilespmem:$0x1FA50] =	vst v63  }
0x152: {  	s28 =	simm.s32 $0x16150  }
0x153: {  	[spmem:s6] =	stream.indirect.scatter.add.f32 [tilespmem:s28], [sflag:$0x4], $0x1, s19, s13, $0xb8;
	[tilespmem:$0x1FA50] =	vst v63  }
0x154: {  	s29 =	simm.s32 $0x16B50  }
0x155: {  	[spmem:s8] =	stream.indirect.scatter.add.f32 [tilespmem:s29], [sflag:$0x4], $0x1, s19, s13, $0xb8;
	[tilespmem:$0x1FA50] =	vst v63  }
.LBB2_6:
0x156: {  	s1 =	sadd.s32 s25, s31  }
0x157: {  	p1 =	sgt.u32 s1, $0x4E1  }
0x158: {  	p2 =	seq.s32 @!p1 s30, $0x0  }
0x159: {  	p2 =	por p2, p1  }
0x15a: {  	s9 =	simm.s32 @!p2 $0x6  }
0x15b: {  	_ =	swait.ge @!p2 [sflag:s9], $0xA00  }
0x15c: {  	[sflag:s9] =	ssyncset.done @!p2 $0x0  }
0x15d: {  	[sflag:s9] =	ssyncadd.s32 @!p2 $0xFFFFF600  }
0x15e: {  	_ =	swait.ge @!p2 [sflag:s9], $0xA00  }
0x15f: {  	[sflag:s9] =	ssyncset.done @!p2 $0x0  }
0x160: {  	[sflag:s9] =	ssyncadd.s32 @!p2 $0xFFFFF600  }
0x161: {  	_ =	swait.ge @!p2 [sflag:s9], $0xA00  }
0x162: {  	[sflag:s9] =	ssyncset.done @!p2 $0x0  }
0x163: {  	[sflag:s9] =	ssyncadd.s32 @!p2 $0xFFFFF600  }
0x164: {  	_ =	swait.ge @!p2 [sflag:s9], $0xA00  }
0x165: {  	[sflag:s9] =	ssyncset.done @!p2 $0x0  }
0x166: {  	[sflag:s9] =	ssyncadd.s32 @!p2 $0xFFFFF600  }
0x167: {  	_ =	swait.ge @!p2 [sflag:s9], $0xA00  }
0x168: {  	[sflag:s9] =	ssyncset.done @!p2 $0x0  }
0x169: {  	s1 =	smul.u32 @!p1 $0xA00, s1;
	[sflag:s9] =	ssyncadd.s32 @!p2 $0xFFFFF600  }
0x16a: {  	_ =	swait.ge @!p2 [sflag:s9], $0xA00  }
0x16b: {  	s10 =	simm.s32 @!p1 $0x7150;
	s1 =	sshrl.u32 @!p1 s1, $0x3;
	[sflag:s9] =	ssyncset.done @!p2 $0x0  }
0x16c: {  	s1 =	sadd.s32 @!p1 s0, s1;
	[sflag:s9] =	ssyncadd.s32 @!p2 $0xFFFFF600;
	s9 =	simm.s32 @!p1 $0x0  }
0x16d: {  	[tilespmem:s10], [sflag:$0x7] =	stream.linear.gather @!p1 [hbm4b:s1+s9], $0xA00, $0x38;
	[tilespmem:$0x1FA50] =	vst v63  }
0x16e: {  	s11 =	simm.s32 @!p1 $0x7B50;
	s1 =	sadd.s32 @!p1 $0x61A80, s1  }
0x16f: {  	[tilespmem:s11], [sflag:$0x7] =	stream.linear.gather @!p1 [hbm4b:s1+s9], $0xA00, $0x38;
	[tilespmem:$0x1FA50] =	vst v63  }
0x170: {  	s1 =	simm.s32 @!p1 $0x7  }
0x171: {  	_ =	swait.ge @!p1 [sflag:s1], $0xA00  }
0x172: {  	[sflag:s1] =	ssyncset.done @!p1 $0x0  }
0x173: {  	[sflag:s1] =	ssyncadd.s32 @!p1 $0xFFFFF600  }
0x174: {  	_ =	swait.ge @!p1 [sflag:s1], $0xA00  }
0x175: {  	[sflag:s1] =	ssyncset.done @!p1 $0x0  }
0x176: {  	s9 =	simm.s32 @!p1 $0xFD50;
	[sflag:s1] =	ssyncadd.s32 @!p1 $0xFFFFF600;
	s1 =	simm.s32 @!p1 $0xA00  }
0x177: {  	[tilespmem:s9], [sflag:$0x3] =	stream.indirect.gather @!p1 [spmem:s2], $0x1, s10, s1, $0xb8;
	[tilespmem:$0x1FA50] =	vst v63  }
0x178: {  	s9 =	simm.s32 @!p1 $0x10750  }
0x179: {  	[tilespmem:s9], [sflag:$0x3] =	stream.indirect.gather @!p1 [spmem:s3], $0x1, s10, s1, $0xb8;
	[tilespmem:$0x1FA50] =	vst v63  }
0x17a: {  	s9 =	simm.s32 @!p1 $0x11150  }
0x17b: {  	[tilespmem:s9], [sflag:$0x3] =	stream.indirect.gather @!p1 [spmem:s4], $0x1, s10, s1, $0xb8;
	[tilespmem:$0x1FA50] =	vst v63  }
0x17c: {  	s9 =	simm.s32 @!p1 $0x11B50  }
0x17d: {  	[tilespmem:s9], [sflag:$0x3] =	stream.indirect.gather @!p1 [spmem:s2], $0x1, s11, s1, $0xb8;
	[tilespmem:$0x1FA50] =	vst v63  }
.Ltmp6:
0x17e: {  	_ = 	snop;
	(pc) =	sbr.rel @p0 .LBB2_10-.Ltmp6, $4  }
0x17f: {  	s9 =	simm.s32 @!p1 $0x12550  }
0x180: {  	[tilespmem:s9], [sflag:$0x3] =	stream.indirect.gather @!p1 [spmem:s3], $0x1, s11, s1, $0xb8;
	[tilespmem:$0x1FA50] =	vst v63  }
0x181: {  	s9 =	simm.s32 @!p1 $0x12F50  }
0x182: {  	[tilespmem:s9], [sflag:$0x3] =	stream.indirect.gather @!p1 [spmem:s4], $0x1, s11, s1, $0xb8;
	[tilespmem:$0x1FA50] =	vst v63  }
0x183: {  	_ =	swait.ge [sflag:s20], $0xA00  }
0x184: {  	[sflag:s20] =	ssyncset.done $0x0  }
0x185: {  	[sflag:s20] =	ssyncadd.s32 $0xFFFFF600  }
0x186: {  	_ =	swait.ge [sflag:s20], $0xA00  }
0x187: {  	[sflag:s20] =	ssyncset.done $0x0  }
0x188: {  	[sflag:s20] =	ssyncadd.s32 $0xFFFFF600  }
0x189: {  	_ =	swait.ge [sflag:s20], $0xA00  }
0x18a: {  	[sflag:s20] =	ssyncset.done $0x0  }
0x18b: {  	[sflag:s20] =	ssyncadd.s32 $0xFFFFF600  }
0x18c: {  	_ =	swait.ge [sflag:s20], $0xA00  }
0x18d: {  	[sflag:s20] =	ssyncset.done $0x0  }
0x18e: {  	[sflag:s20] =	ssyncadd.s32 $0xFFFFF600  }
0x18f: {  	_ =	swait.ge [sflag:s20], $0xA00  }
0x190: {  	[sflag:s20] =	ssyncset.done $0x0  }
0x191: {  	[sflag:s20] =	ssyncadd.s32 $0xFFFFF600  }
0x192: {  	_ =	swait.ge [sflag:s20], $0xA00  }
0x193: {  	[sflag:s20] =	ssyncset.done $0x0  }
0x194: {  	s1 =	simm.s32 $0xE950;
	[sflag:s20] =	ssyncadd.s32 $0xFFFFF600  }
0x195: {  	s9 =	simm.s32 $0xCB50;
	v1 =	vld [tilespmem:s1+$0x0]  }
0x196: {  	s11 =	simm.s32 $0xDF50;
	v2 =	vld [tilespmem:s9+$0x0]  }
0x197: {  	s12 =	simm.s32 $0xC150;
	v3 =	vld [tilespmem:s11+$0x0]  }
0x198: {  	s15 =	simm.s32 $0xD550;
	v4 =	vld [tilespmem:s12+$0x0]  }
0x199: {  	s16 =	simm.s32 $0xF350;
	v5 =	vld [tilespmem:s15+$0x0]  }
0x19a: {  	v6 =	vld [tilespmem:s16+$0x0];
	_ =	sdelay $0x2  }
0x19b: {  	v1 =	vsub.f32 v1, v2;
	v2 =	vsub.f32 v3, v4;
	_ =	sdelay $0x1  }
0x19c: {  	v3 =	vsub.f32 v6, v5;
	v4 =	vmul.f32 v2, v2;
	v58 =	vmul.f32 v1, v1;
	_ =	sdelay $0x1  }
0x19d: {  	v59 =	vmul.f32 v3, v3;
	v4 =	vadd.f32 v58, v4;
	_ =	sdelay $0x1  }
0x19e: {  	v4 =	vadd.f32 v59, v4;
	_ =	sdelay $0x1  }
0x19f: {  	vm0 =	vgt.f32 v4, $0.0e+00;
	vm1 =	vlt.f32 v4, $6.250000000e+00  }
0x1a0: {  	vm0 =	vmand vm0, vm1  }
0x1a1: {  	v4 =	vnsel vm0, $0x3F800000, v4  }
0x1a2: {  	(erf) = vrcp.f32 v4;
	_ =	sdelay $0x8  }
0x1a3: {  	v4 =	vpop (erf)  }
0x1a4: {  	v60 =	vmul.f32 v4, v4;
	_ =	sdelay $0x1  }
0x1a5: {  	v5 =	vmul.f32 v60, v4;
	_ =	sdelay $0x1  }
0x1a6: {  	v61 =	vmul.f32 v5, v5;
	_ =	sdelay $0x1  }
0x1a7: {  	v7 =	vadd.f32 v61, v61;
	_ =	sdelay $0x1  }
0x1a8: {  	v4 =	vmul.f32 $2.400000000e+01, v4;
	v7 =	vsub.f32 v7, v5;
	_ =	sdelay $0x1  }
0x1a9: {  	v4 =	vmul.f32 v7, v4;
	_ =	sdelay $0x1  }
0x1aa: {  	v4 =	vnsel vm0, $0x0, v4  }
0x1ab: {  	v2 =	vmul.f32 v4, v2  }
0x1ac: {  	s18 =	simm.s32 $0x18950;
	s17 =	simm.s32 $0x19350;
	v5 =	vsub.f32 v61, v5;
	v1 =	vmul.f32 v4, v1  }
0x1ad: {  	s19 =	simm.s32 $0x17F50;
	s10 =	simm.s32 $0x17550;
	s21 =	simm.s32 $0x19D50;
	v3 =	vmul.f32 v4, v3;
	[tilespmem:s17+$0x0] =	vst v2  }
0x1ae: {  	s29 =	simm.s32 $0xC160;
	s28 =	simm.s32 $0xF360;
	s11 =	simm.s32 $0x1A750;
	v62 =	vmul.f32 $4.000000000e+00, v5;
	v2 =	vsub.f32 $0.0e+00, v2;
	[tilespmem:s21+$0x0] =	vst v1  }
0x1af: {  	s12 =	simm.s32 $0x0;
	s1 =	simm.s32 $0xDF60;
	s9 =	simm.s32 $0xCB60;
	v63 =	vsub.f32 $0.0e+00, v1;
	[tilespmem:s11+$0x0] =	vst v3  }
0x1b0: {  	s15 =	simm.s32 $0xE960;
	s16 =	simm.s32 $0xD560;
	v4 =	vnsel vm0, $0x0, v62;
	s17 =	simm.s32 $0x17560;
	v1 =	vimm.f32 $0.0e+00;
	[tilespmem:s10+$0x0] =	vst v2;
	v2 =	vsub.f32 $0.0e+00, v3  }
0x1b1: {  	s21 =	simm.s32 $0x19360;
	v1 =	vadd.f32 v4, v1;
	s11 =	simm.s32 $0x19D60;
	s10 =	simm.s32 $0x1A760;
	[tilespmem:s19+$0x0] =	vst v63  }
.LBB2_8:
0x1b2: {  	s12 =	sadd.s32 $0x10, s12;
	[tilespmem:s18+$0x0] =	vst v2;
	s18 =	sadd.s32 $0x10, s18;
	s19 =	sadd.s32 $0x10, s19  }
0x1b3: {  	v2 =	vld [tilespmem:s15+$0x0];
	p0 =	slt.u32 s12, $0x9F0  }
0x1b4: {  	v3 =	vld [tilespmem:s9+$0x0]  }
0x1b5: {  	v4 =	vld [tilespmem:s1+$0x0]  }
0x1b6: {  	v5 =	vld [tilespmem:s29+$0x0]  }
0x1b7: {  	v6 =	vld [tilespmem:s16+$0x0]  }
0x1b8: {  	v7 =	vld [tilespmem:s28+$0x0]  }
0x1b9: {  	v2 =	vsub.f32 v2, v3;
	_ =	sdelay $0x1  }
0x1ba: {  	v3 =	vsub.f32 v4, v5;
	_ =	sdelay $0x1  }
0x1bb: {  	v4 =	vsub.f32 v7, v6;
	v5 =	vmul.f32 v3, v3;
	v6 =	vmul.f32 v2, v2;
	_ =	sdelay $0x1  }
0x1bc: {  	v5 =	vadd.f32 v6, v5;
	v6 =	vmul.f32 v4, v4;
	_ =	sdelay $0x1  }
0x1bd: {  	v5 =	vadd.f32 v6, v5;
	_ =	sdelay $0x1  }
0x1be: {  	vm0 =	vgt.f32 v5, $0.0e+00;
	vm1 =	vlt.f32 v5, $6.250000000e+00  }
0x1bf: {  	vm0 =	vmand vm0, vm1  }
0x1c0: {  	v5 =	vnsel vm0, $0x3F800000, v5  }
0x1c1: {  	(erf) = vrcp.f32 v5;
	_ =	sdelay $0x8  }
0x1c2: {  	v5 =	vpop (erf)  }
0x1c3: {  	v6 =	vmul.f32 v5, v5;
	_ =	sdelay $0x1  }
0x1c4: {  	v6 =	vmul.f32 v6, v5;
	_ =	sdelay $0x1  }
0x1c5: {  	v7 =	vmul.f32 v6, v6;
	_ =	sdelay $0x1  }
0x1c6: {  	v8 =	vsub.f32 v7, v6;
	v7 =	vadd.f32 v7, v7;
	_ =	sdelay $0x1  }
0x1c7: {  	v5 =	vmul.f32 $2.400000000e+01, v5;
	v8 =	vmul.f32 $4.000000000e+00, v8;
	v6 =	vsub.f32 v7, v6;
	_ =	sdelay $0x1  }
0x1c8: {  	v7 =	vnsel vm0, $0x0, v8;
	v5 =	vmul.f32 v6, v5  }
0x1c9: {  	v1 =	vadd.f32 v7, v1  }
0x1ca: {  	v5 =	vnsel vm0, $0x0, v5  }
0x1cb: {  	v3 =	vmul.f32 v5, v3;
	v2 =	vmul.f32 v5, v2;
	_ =	sdelay $0x1  }
.Ltmp7:
0x1cc: {  	v4 =	vmul.f32 v5, v4;
	[tilespmem:s21+$0x0] =	vst v3;
	(pc) =	sbr.rel @p0 .LBB2_8-.Ltmp7, $4  }
0x1cd: {  	s1 =	sadd.s32 $0x10, s1;
	v3 =	vsub.f32 $0.0e+00, v3;
	[tilespmem:s11+$0x0] =	vst v2  }
0x1ce: {  	s15 =	sadd.s32 $0x10, s15;
	s9 =	sadd.s32 $0x10, s9;
	s29 =	sadd.s32 $0x10, s29;
	v5 =	vsub.f32 $0.0e+00, v2;
	[tilespmem:s10+$0x0] =	vst v4  }
0x1cf: {  	s16 =	sadd.s32 $0x10, s16;
	s28 =	sadd.s32 $0x10, s28;
	s21 =	sadd.s32 $0x10, s21;
	v2 =	vsub.f32 $0.0e+00, v4;
	[tilespmem:s17+$0x0] =	vst v3  }
0x1d0: {  	s11 =	sadd.s32 $0x10, s11;
	s10 =	sadd.s32 $0x10, s10;
	s17 =	sadd.s32 $0x10, s17;
	[tilespmem:s19+$0x0] =	vst v5  }
0x1d1: {  	[tilespmem:s18+$0x0] =	vst v2  }
0x1d2: {  	v2 =	vld [tilespmem:$0x1ED50];
	_ =	sdelay $0x4  }
0x1d3: {  	v1 =	vadd.f32 v2, v1;
	_ =	sdelay $0x1  }
0x1d4: {  	s1 =	simm.s32 $0x5D50;
	s9 =	simm.s32 $0x17550;
	[tilespmem:$0x1ED50] =	vst v1  }
0x1d5: {  	[spmem:s5] =	stream.indirect.scatter.add.f32 [tilespmem:s9], [sflag:$0x5], $0x1, s1, s13, $0xb8;
	[tilespmem:$0x1FA50] =	vst v63  }
0x1d6: {  	s17 =	simm.s32 $0x17F50  }
0x1d7: {  	[spmem:s6] =	stream.indirect.scatter.add.f32 [tilespmem:s17], [sflag:$0x5], $0x1, s1, s13, $0xb8;
	[tilespmem:$0x1FA50] =	vst v63  }
0x1d8: {  	s18 =	simm.s32 $0x18950  }
0x1d9: {  	[spmem:s8] =	stream.indirect.scatter.add.f32 [tilespmem:s18], [sflag:$0x5], $0x1, s1, s13, $0xb8;
	[tilespmem:$0x1FA50] =	vst v63  }
0x1da: {  	s19 =	simm.s32 $0x6750;
	s21 =	simm.s32 $0x19350  }
0x1db: {  	[spmem:s5] =	stream.indirect.scatter.add.f32 [tilespmem:s21], [sflag:$0x5], $0x1, s19, s13, $0xb8;
	[tilespmem:$0x1FA50] =	vst v63  }
0x1dc: {  	s28 =	simm.s32 $0x19D50  }
0x1dd: {  	[spmem:s6] =	stream.indirect.scatter.add.f32 [tilespmem:s28], [sflag:$0x5], $0x1, s19, s13, $0xb8;
	[tilespmem:$0x1FA50] =	vst v63  }
0x1de: {  	s29 =	simm.s32 $0x1A750  }
0x1df: {  	[spmem:s8] =	stream.indirect.scatter.add.f32 [tilespmem:s29], [sflag:$0x5], $0x1, s19, s13, $0xb8;
	[tilespmem:$0x1FA50] =	vst v63  }
.LBB2_10:
0x1e0: {  	s1 =	sadd.s32 s26, s31  }
0x1e1: {  	p0 =	sgt.u32 s1, $0x4E1  }
0x1e2: {  	s9 =	simm.s32 @!p0 $0x4  }
0x1e3: {  	_ =	swait.ge @!p0 [sflag:s9], $0xA00  }
0x1e4: {  	[sflag:s9] =	ssyncset.done @!p0 $0x0  }
0x1e5: {  	[sflag:s9] =	ssyncadd.s32 @!p0 $0xFFFFF600  }
0x1e6: {  	_ =	swait.ge @!p0 [sflag:s9], $0xA00  }
0x1e7: {  	[sflag:s9] =	ssyncset.done @!p0 $0x0  }
0x1e8: {  	[sflag:s9] =	ssyncadd.s32 @!p0 $0xFFFFF600  }
0x1e9: {  	_ =	swait.ge @!p0 [sflag:s9], $0xA00  }
0x1ea: {  	[sflag:s9] =	ssyncset.done @!p0 $0x0  }
0x1eb: {  	[sflag:s9] =	ssyncadd.s32 @!p0 $0xFFFFF600  }
0x1ec: {  	_ =	swait.ge @!p0 [sflag:s9], $0xA00  }
0x1ed: {  	[sflag:s9] =	ssyncset.done @!p0 $0x0  }
0x1ee: {  	[sflag:s9] =	ssyncadd.s32 @!p0 $0xFFFFF600  }
0x1ef: {  	_ =	swait.ge @!p0 [sflag:s9], $0xA00  }
0x1f0: {  	[sflag:s9] =	ssyncset.done @!p0 $0x0  }
0x1f1: {  	s1 =	smul.u32 @!p0 $0xA00, s1;
	[sflag:s9] =	ssyncadd.s32 @!p0 $0xFFFFF600  }
0x1f2: {  	_ =	swait.ge @!p0 [sflag:s9], $0xA00  }
0x1f3: {  	s10 =	simm.s32 @!p0 $0x4950;
	s1 =	sshrl.u32 @!p0 s1, $0x3;
	[sflag:s9] =	ssyncset.done @!p0 $0x0  }
0x1f4: {  	s1 =	sadd.s32 @!p0 s0, s1;
	[sflag:s9] =	ssyncadd.s32 @!p0 $0xFFFFF600;
	s9 =	simm.s32 @!p0 $0x0  }
0x1f5: {  	[tilespmem:s10], [sflag:$0x7] =	stream.linear.gather @!p0 [hbm4b:s1+s9], $0xA00, $0x38;
	[tilespmem:$0x1FA50] =	vst v63  }
0x1f6: {  	s11 =	simm.s32 @!p0 $0x5350;
	s1 =	sadd.s32 @!p0 $0x61A80, s1  }
0x1f7: {  	[tilespmem:s11], [sflag:$0x7] =	stream.linear.gather @!p0 [hbm4b:s1+s9], $0xA00, $0x38;
	[tilespmem:$0x1FA50] =	vst v63  }
0x1f8: {  	s1 =	simm.s32 @!p0 $0x7  }
0x1f9: {  	_ =	swait.ge @!p0 [sflag:s1], $0xA00  }
0x1fa: {  	[sflag:s1] =	ssyncset.done @!p0 $0x0  }
0x1fb: {  	[sflag:s1] =	ssyncadd.s32 @!p0 $0xFFFFF600  }
0x1fc: {  	_ =	swait.ge @!p0 [sflag:s1], $0xA00  }
0x1fd: {  	[sflag:s1] =	ssyncset.done @!p0 $0x0  }
0x1fe: {  	s9 =	simm.s32 @!p0 $0x8550;
	[sflag:s1] =	ssyncadd.s32 @!p0 $0xFFFFF600;
	s1 =	simm.s32 @!p0 $0xA00  }
0x1ff: {  	[tilespmem:s9], [sflag:$0x1] =	stream.indirect.gather @!p0 [spmem:s2], $0x1, s10, s1, $0xb8;
	[tilespmem:$0x1FA50] =	vst v63  }
0x200: {  	s9 =	simm.s32 @!p0 $0x8F50  }
0x201: {  	[tilespmem:s9], [sflag:$0x1] =	stream.indirect.gather @!p0 [spmem:s3], $0x1, s10, s1, $0xb8;
	[tilespmem:$0x1FA50] =	vst v63  }
0x202: {  	s9 =	simm.s32 @!p0 $0x9950  }
0x203: {  	[tilespmem:s9], [sflag:$0x1] =	stream.indirect.gather @!p0 [spmem:s4], $0x1, s10, s1, $0xb8;
	[tilespmem:$0x1FA50] =	vst v63  }
0x204: {  	s9 =	simm.s32 @!p0 $0xA350  }
0x205: {  	[tilespmem:s9], [sflag:$0x1] =	stream.indirect.gather @!p0 [spmem:s2], $0x1, s11, s1, $0xb8;
	[tilespmem:$0x1FA50] =	vst v63  }
.Ltmp8:
0x206: {  	_ = 	snop;
	(pc) =	sbr.rel @p1 .LBB2_14-.Ltmp8, $4  }
0x207: {  	s9 =	simm.s32 @!p0 $0xAD50  }
0x208: {  	[tilespmem:s9], [sflag:$0x1] =	stream.indirect.gather @!p0 [spmem:s3], $0x1, s11, s1, $0xb8;
	[tilespmem:$0x1FA50] =	vst v63  }
0x209: {  	s9 =	simm.s32 @!p0 $0xB750  }
0x20a: {  	[tilespmem:s9], [sflag:$0x1] =	stream.indirect.gather @!p0 [spmem:s4], $0x1, s11, s1, $0xb8;
	[tilespmem:$0x1FA50] =	vst v63  }
0x20b: {  	_ =	swait.ge [sflag:s22], $0xA00  }
0x20c: {  	[sflag:s22] =	ssyncset.done $0x0  }
0x20d: {  	[sflag:s22] =	ssyncadd.s32 $0xFFFFF600  }
0x20e: {  	_ =	swait.ge [sflag:s22], $0xA00  }
0x20f: {  	[sflag:s22] =	ssyncset.done $0x0  }
0x210: {  	[sflag:s22] =	ssyncadd.s32 $0xFFFFF600  }
0x211: {  	_ =	swait.ge [sflag:s22], $0xA00  }
0x212: {  	[sflag:s22] =	ssyncset.done $0x0  }
0x213: {  	[sflag:s22] =	ssyncadd.s32 $0xFFFFF600  }
0x214: {  	_ =	swait.ge [sflag:s22], $0xA00  }
0x215: {  	[sflag:s22] =	ssyncset.done $0x0  }
0x216: {  	[sflag:s22] =	ssyncadd.s32 $0xFFFFF600  }
0x217: {  	_ =	swait.ge [sflag:s22], $0xA00  }
0x218: {  	[sflag:s22] =	ssyncset.done $0x0  }
0x219: {  	[sflag:s22] =	ssyncadd.s32 $0xFFFFF600  }
0x21a: {  	_ =	swait.ge [sflag:s22], $0xA00  }
0x21b: {  	[sflag:s22] =	ssyncset.done $0x0  }
0x21c: {  	s1 =	simm.s32 $0x12550;
	[sflag:s22] =	ssyncadd.s32 $0xFFFFF600  }
0x21d: {  	s9 =	simm.s32 $0x10750;
	v1 =	vld [tilespmem:s1+$0x0]  }
0x21e: {  	s16 =	simm.s32 $0x11B50;
	v2 =	vld [tilespmem:s9+$0x0]  }
0x21f: {  	s17 =	simm.s32 $0xFD50;
	v3 =	vld [tilespmem:s16+$0x0]  }
0x220: {  	s18 =	simm.s32 $0x11150;
	v4 =	vld [tilespmem:s17+$0x0]  }
0x221: {  	s19 =	simm.s32 $0x12F50;
	v5 =	vld [tilespmem:s18+$0x0]  }
0x222: {  	v6 =	vld [tilespmem:s19+$0x0];
	_ =	sdelay $0x2  }
0x223: {  	v1 =	vsub.f32 v1, v2;
	v2 =	vsub.f32 v3, v4;
	_ =	sdelay $0x1  }
0x224: {  	v3 =	vsub.f32 v6, v5;
	v4 =	vmul.f32 v2, v2;
	v58 =	vmul.f32 v1, v1;
	_ =	sdelay $0x1  }
0x225: {  	v59 =	vmul.f32 v3, v3;
	v4 =	vadd.f32 v58, v4;
	_ =	sdelay $0x1  }
0x226: {  	v4 =	vadd.f32 v59, v4;
	_ =	sdelay $0x1  }
0x227: {  	vm0 =	vgt.f32 v4, $0.0e+00;
	vm1 =	vlt.f32 v4, $6.250000000e+00  }
0x228: {  	vm0 =	vmand vm0, vm1  }
0x229: {  	v4 =	vnsel vm0, $0x3F800000, v4  }
0x22a: {  	(erf) = vrcp.f32 v4;
	_ =	sdelay $0x8  }
0x22b: {  	v4 =	vpop (erf)  }
0x22c: {  	v60 =	vmul.f32 v4, v4;
	_ =	sdelay $0x1  }
0x22d: {  	v5 =	vmul.f32 v60, v4;
	_ =	sdelay $0x1  }
0x22e: {  	v61 =	vmul.f32 v5, v5;
	_ =	sdelay $0x1  }
0x22f: {  	v7 =	vadd.f32 v61, v61;
	_ =	sdelay $0x1  }
0x230: {  	v4 =	vmul.f32 $2.400000000e+01, v4;
	v7 =	vsub.f32 v7, v5;
	_ =	sdelay $0x1  }
0x231: {  	v4 =	vmul.f32 v7, v4;
	_ =	sdelay $0x1  }
0x232: {  	v4 =	vnsel vm0, $0x0, v4  }
0x233: {  	v2 =	vmul.f32 v4, v2  }
0x234: {  	s21 =	simm.s32 $0x1CF50;
	s10 =	simm.s32 $0x1B150;
	v5 =	vsub.f32 v61, v5;
	v1 =	vmul.f32 v4, v1  }
0x235: {  	s31 =	simm.s32 $0x1D950;
	s11 =	simm.s32 $0x1E350;
	s12 =	simm.s32 $0x0;
	v3 =	vmul.f32 v4, v3;
	[tilespmem:s21+$0x0] =	vst v2  }
0x236: {  	s15 =	simm.s32 $0x12560;
	s29 =	simm.s32 $0xFD60;
	s28 =	simm.s32 $0x12F60;
	v62 =	vmul.f32 $4.000000000e+00, v5;
	v2 =	vsub.f32 $0.0e+00, v2;
	[tilespmem:s31+$0x0] =	vst v1  }
0x237: {  	s18 =	simm.s32 $0x1C550;
	s19 =	simm.s32 $0x1BB50;
	s1 =	simm.s32 $0x11B60;
	v63 =	vsub.f32 $0.0e+00, v1;
	[tilespmem:s11+$0x0] =	vst v3  }
0x238: {  	s9 =	simm.s32 $0x10760;
	s16 =	simm.s32 $0x11160;
	s17 =	simm.s32 $0x1B160;
	v4 =	vnsel vm0, $0x0, v62;
	v1 =	vimm.f32 $0.0e+00;
	[tilespmem:s10+$0x0] =	vst v2;
	v2 =	vsub.f32 $0.0e+00, v3  }
0x239: {  	s21 =	simm.s32 $0x1CF60;
	v1 =	vadd.f32 v4, v1;
	s11 =	simm.s32 $0x1D960;
	s10 =	simm.s32 $0x1E360;
	[tilespmem:s19+$0x0] =	vst v63  }
.LBB2_12:
0x23a: {  	s12 =	sadd.s32 $0x10, s12;
	[tilespmem:s18+$0x0] =	vst v2;
	s18 =	sadd.s32 $0x10, s18;
	s19 =	sadd.s32 $0x10, s19  }
0x23b: {  	v2 =	vld [tilespmem:s15+$0x0];
	p0 =	slt.u32 s12, $0x9F0  }
0x23c: {  	v3 =	vld [tilespmem:s9+$0x0]  }
0x23d: {  	v4 =	vld [tilespmem:s1+$0x0]  }
0x23e: {  	v5 =	vld [tilespmem:s29+$0x0]  }
0x23f: {  	v6 =	vld [tilespmem:s16+$0x0]  }
0x240: {  	v7 =	vld [tilespmem:s28+$0x0]  }
0x241: {  	v2 =	vsub.f32 v2, v3;
	_ =	sdelay $0x1  }
0x242: {  	v3 =	vsub.f32 v4, v5;
	_ =	sdelay $0x1  }
0x243: {  	v4 =	vsub.f32 v7, v6;
	v5 =	vmul.f32 v3, v3;
	v6 =	vmul.f32 v2, v2;
	_ =	sdelay $0x1  }
0x244: {  	v5 =	vadd.f32 v6, v5;
	v6 =	vmul.f32 v4, v4;
	_ =	sdelay $0x1  }
0x245: {  	v5 =	vadd.f32 v6, v5;
	_ =	sdelay $0x1  }
0x246: {  	vm0 =	vgt.f32 v5, $0.0e+00;
	vm1 =	vlt.f32 v5, $6.250000000e+00  }
0x247: {  	vm0 =	vmand vm0, vm1  }
0x248: {  	v5 =	vnsel vm0, $0x3F800000, v5  }
0x249: {  	(erf) = vrcp.f32 v5;
	_ =	sdelay $0x8  }
0x24a: {  	v5 =	vpop (erf)  }
0x24b: {  	v6 =	vmul.f32 v5, v5;
	_ =	sdelay $0x1  }
0x24c: {  	v6 =	vmul.f32 v6, v5;
	_ =	sdelay $0x1  }
0x24d: {  	v7 =	vmul.f32 v6, v6;
	_ =	sdelay $0x1  }
0x24e: {  	v8 =	vsub.f32 v7, v6;
	v7 =	vadd.f32 v7, v7;
	_ =	sdelay $0x1  }
0x24f: {  	v5 =	vmul.f32 $2.400000000e+01, v5;
	v8 =	vmul.f32 $4.000000000e+00, v8;
	v6 =	vsub.f32 v7, v6;
	_ =	sdelay $0x1  }
0x250: {  	v7 =	vnsel vm0, $0x0, v8;
	v5 =	vmul.f32 v6, v5  }
0x251: {  	v1 =	vadd.f32 v7, v1  }
0x252: {  	v5 =	vnsel vm0, $0x0, v5  }
0x253: {  	v3 =	vmul.f32 v5, v3;
	v2 =	vmul.f32 v5, v2;
	_ =	sdelay $0x1  }
.Ltmp9:
0x254: {  	v4 =	vmul.f32 v5, v4;
	[tilespmem:s21+$0x0] =	vst v3;
	(pc) =	sbr.rel @p0 .LBB2_12-.Ltmp9, $4  }
0x255: {  	s1 =	sadd.s32 $0x10, s1;
	v3 =	vsub.f32 $0.0e+00, v3;
	[tilespmem:s11+$0x0] =	vst v2  }
0x256: {  	s15 =	sadd.s32 $0x10, s15;
	s9 =	sadd.s32 $0x10, s9;
	s29 =	sadd.s32 $0x10, s29;
	v5 =	vsub.f32 $0.0e+00, v2;
	[tilespmem:s10+$0x0] =	vst v4  }
0x257: {  	s16 =	sadd.s32 $0x10, s16;
	s28 =	sadd.s32 $0x10, s28;
	s21 =	sadd.s32 $0x10, s21;
	v2 =	vsub.f32 $0.0e+00, v4;
	[tilespmem:s17+$0x0] =	vst v3  }
0x258: {  	s11 =	sadd.s32 $0x10, s11;
	s10 =	sadd.s32 $0x10, s10;
	s17 =	sadd.s32 $0x10, s17;
	[tilespmem:s19+$0x0] =	vst v5  }
0x259: {  	[tilespmem:s18+$0x0] =	vst v2  }
0x25a: {  	v2 =	vld [tilespmem:$0x1ED50];
	_ =	sdelay $0x4  }
0x25b: {  	v1 =	vadd.f32 v2, v1;
	_ =	sdelay $0x1  }
0x25c: {  	s1 =	simm.s32 $0x7150;
	s9 =	simm.s32 $0x1B150;
	[tilespmem:$0x1ED50] =	vst v1  }
0x25d: {  	[spmem:s5] =	stream.indirect.scatter.add.f32 [tilespmem:s9], [sflag:$0x6], $0x1, s1, s13, $0xb8;
	[tilespmem:$0x1FA50] =	vst v63  }
0x25e: {  	s18 =	simm.s32 $0x1BB50  }
0x25f: {  	[spmem:s6] =	stream.indirect.scatter.add.f32 [tilespmem:s18], [sflag:$0x6], $0x1, s1, s13, $0xb8;
	[tilespmem:$0x1FA50] =	vst v63  }
0x260: {  	s19 =	simm.s32 $0x1C550  }
0x261: {  	[spmem:s8] =	stream.indirect.scatter.add.f32 [tilespmem:s19], [sflag:$0x6], $0x1, s1, s13, $0xb8;
	[tilespmem:$0x1FA50] =	vst v63  }
0x262: {  	s21 =	simm.s32 $0x7B50;
	s28 =	simm.s32 $0x1CF50  }
0x263: {  	[spmem:s5] =	stream.indirect.scatter.add.f32 [tilespmem:s28], [sflag:$0x6], $0x1, s21, s13, $0xb8;
	[tilespmem:$0x1FA50] =	vst v63  }
.Ltmp10:
0x264: {  	_ = 	snop;
	(pc) =	sbr.rel .LBB2_14-.Ltmp10, $4  }
0x265: {  	s29 =	simm.s32 $0x1D950  }
0x266: {  	[spmem:s6] =	stream.indirect.scatter.add.f32 [tilespmem:s29], [sflag:$0x6], $0x1, s21, s13, $0xb8;
	[tilespmem:$0x1FA50] =	vst v63  }
0x267: {  	s31 =	simm.s32 $0x1E350  }
0x268: {  	[spmem:s8] =	stream.indirect.scatter.add.f32 [tilespmem:s31], [sflag:$0x6], $0x1, s21, s13, $0xb8;
	[tilespmem:$0x1FA50] =	vst v63  }
.LBB2_16:
0x269: {  	_ =	sfence.sel $0x180000  }
0x26a: {  	[bflag:$0x0] =	sbarrier.arrive $0xFFFF  }
0x26b: {  	_ =	strace $0x90000047  }
0x26c: {  	s0 =	stileid.u32;
	[bflag:$0x2] =	sbarrier.arrive $0xFFFF  }
0x26d: {  	p0 =	sne.s32 s0, $0x0;
	s0 =	rddreg [dreg:$0xd]  }
0x26e: {  	s0 =	sadd.s32 @!p0 $0x100000, s0  }
0x26f: {  	[sflag:s0] =	ssyncadd.tile.s32 @!p0 $0x1;
	_ =	shalt  }
.Lfunc_end2:
_tile_overlayer_lowered:
.L_overlay_start_2:
0x270: {  	(tag) =	ssettag $0x2  }
0x271: {  	s0 =	rddreg [dreg:$0x0];
	s2 =	stileid.u32  }
0x272: {  	s1 =	rddreg [dreg:$0x1];
	p0 =	sne.s32 s2, $0x0  }
0x273: {  	s3 =	rddreg [dreg:$0x2];
	[bflag:$0x3] =	sbarrier.arrive $0xFFFF;
	s2 =	simm.s32 @!p0 $0x1C08  }
0x274: {  	[timem:s3], [sflag:s2] =	dma.local @!p0 [hbm:s0], s1  }
0x275: {  	s0 =	simm.s32 @!p0 $0x8  }
0x276: {  	_ =	swait.ge @!p0 [sflag:s0], s1  }
0x277: {  	s1 =	ssub.s32 @!p0 $0x0, s1;
	[sflag:s0] =	ssyncset.done @!p0 $0x0  }
0x278: {  	[sflag:s0] =	ssyncadd.s32 @!p0 s1  }
0x279: {  	[bflag:$0x3] =	sbarrier.arrive $0xFFFF  }
0x27a: {  	_ =	shalt  }

</sc_bundles>
